<compile_context>
chip_gen: v7x
topology: tpu7x:2x2x1
jax: 0.10.2.dev20260603
libtpu: 0.0.44.dev20260713+nightly
codegen_flags: <defaults>
</compile_context>

<pallas_src>
import functools

import jax
import jax.numpy as jnp
from jax import lax
from jax.experimental import pallas as pl
from jax.experimental.pallas import tpu as pltpu
from jax.experimental.pallas import tpu_sc as plsc

N = 10000
D = 128
E = 320000

NC = 2
NS = 16
CH = 128
EPT = E // NS
EPT_P = 20480
NCHUNK = EPT_P // CH
RPT = 632
NRELOAD = 5
IBUF = NCHUNK // NRELOAD
NJUNK = N
NA = N + 16

_mesh = plsc.VectorSubcoreMesh(core_axis_name="c", subcore_axis_name="s")


@functools.partial(
    pl.kernel,
    out_type=jax.ShapeDtypeStruct((NC, N, D), jnp.float32),
    mesh=_mesh,
    scratch_types=[
        pltpu.VMEM_SHARED((NA, D), jnp.float32),
        pltpu.VMEM((IBUF, CH), jnp.int32),
        pltpu.VMEM((CH, D), jnp.float32),
        pltpu.VMEM((8, D), jnp.float32),
    ],
)
def _sc_degree(dsts_hbm, deg_hbm, acc_sh, dst_all, ones_v, zbuf):
    cid = lax.axis_index("c")
    sid = lax.axis_index("s")
    row0 = jnp.minimum(sid * RPT, N - RPT)

    def initbuf(i, _):
        def initrow(j, __):
            zbuf[i, pl.ds(j * 16, 16)] = jnp.zeros((16,), jnp.float32)
            return __
        lax.fori_loop(0, D // 16, initrow, None)
        return _
    lax.fori_loop(0, 8, initbuf, None)

    def initones(i, _):
        def initrow(j, __):
            ones_v[i, pl.ds(j * 16, 16)] = jnp.ones((16,), jnp.float32)
            return __
        lax.fori_loop(0, D // 16, initrow, None)
        return _
    lax.fori_loop(0, CH, initones, None)

    def zrow(k, _):
        pltpu.sync_copy(zbuf, acc_sh.at[pl.ds(row0 + k * 8, 8)])
        return _
    lax.fori_loop(0, RPT // 8, zrow, None)
    plsc.subcore_barrier()

    def block(r, _):
        pltpu.sync_copy(dsts_hbm.at[cid, sid, r], dst_all)

        def chunk(i, __):
            pltpu.sync_copy(ones_v, acc_sh.at[dst_all.at[i]], add=True)
            return __
        lax.fori_loop(0, IBUF, chunk, None)
        return _
    lax.fori_loop(0, NRELOAD, block, None)

    plsc.subcore_barrier()
    pltpu.sync_copy(acc_sh.at[pl.ds(row0, RPT)],
                    deg_hbm.at[cid, pl.ds(row0, RPT)])


@functools.partial(
    pl.kernel,
    out_type=jax.ShapeDtypeStruct((NC, N, D), jnp.float32),
    mesh=_mesh,
    scratch_types=[
        pltpu.VMEM_SHARED((NA, D), jnp.float32),
        pltpu.VMEM((IBUF, CH), jnp.int32),
        pltpu.VMEM((IBUF, CH), jnp.int32),
        pltpu.VMEM((CH, D), jnp.float32),
        pltpu.VMEM((CH, D), jnp.float32),
        pltpu.VMEM((8, D), jnp.float32),
        pltpu.SemaphoreType.DMA,
        pltpu.SemaphoreType.DMA,
    ],
)
def _sc_edge_pass(g_hbm, srcs_hbm, dsts_hbm, out_hbm,
                  acc_sh, src_all, dst_all, rows_a, rows_b, zbuf,
                  sem_a, sem_b):
    cid = lax.axis_index("c")
    sid = lax.axis_index("s")
    row0 = jnp.minimum(sid * RPT, N - RPT)

    def initbuf(i, _):
        def initrow(j, __):
            zbuf[i, pl.ds(j * 16, 16)] = jnp.zeros((16,), jnp.float32)
            return __
        lax.fori_loop(0, D // 16, initrow, None)
        return _
    lax.fori_loop(0, 8, initbuf, None)

    def zrow(k, _):
        pltpu.sync_copy(zbuf, acc_sh.at[pl.ds(row0 + k * 8, 8)])
        return _
    lax.fori_loop(0, RPT // 8, zrow, None)
    plsc.subcore_barrier()

    def block(r, _):
        pltpu.sync_copy(srcs_hbm.at[cid, sid, r], src_all)
        pltpu.sync_copy(dsts_hbm.at[cid, sid, r], dst_all)
        pltpu.async_copy(g_hbm.at[src_all.at[0]], rows_a, sem_a)

        def pair(j, __):
            i0 = 2 * j
            pltpu.async_copy(g_hbm.at[src_all.at[i0 + 1]], rows_b, sem_b)
            pltpu.make_async_copy(g_hbm.at[src_all.at[i0]], rows_a, sem_a).wait()
            pltpu.sync_copy(rows_a, acc_sh.at[dst_all.at[i0]], add=True)
            pltpu.async_copy(
                g_hbm.at[src_all.at[jnp.minimum(i0 + 2, IBUF - 1)]], rows_a, sem_a)
            pltpu.make_async_copy(g_hbm.at[src_all.at[i0 + 1]], rows_b, sem_b).wait()
            pltpu.sync_copy(rows_b, acc_sh.at[dst_all.at[i0 + 1]], add=True)
            return __
        lax.fori_loop(0, IBUF // 2, pair, None)
        pltpu.make_async_copy(g_hbm.at[src_all.at[IBUF - 1]], rows_a, sem_a).wait()
        return _
    lax.fori_loop(0, NRELOAD, block, None)

    plsc.subcore_barrier()
    pltpu.sync_copy(acc_sh.at[pl.ds(row0, RPT)],
                    out_hbm.at[cid, pl.ds(row0, RPT)])


_BLK = 1000
_GRID = (2 * N) // _BLK


def _tc_prep_body(x_ref, w_ref, deg_ref, g_ref):
    dis = lax.rsqrt(deg_ref[:, 0:1] + 1.0)
    g_ref[...] = jnp.dot(x_ref[...], w_ref[...],
                         preferred_element_type=jnp.float32) * dis


_tc_prep = pl.pallas_call(
    _tc_prep_body,
    grid=(_GRID,),
    in_specs=[
        pl.BlockSpec((_BLK, D), lambda i: (i, 0)),
        pl.BlockSpec((D, D), lambda i: (0, 0)),
        pl.BlockSpec((_BLK, D), lambda i: (i, 0)),
    ],
    out_specs=pl.BlockSpec((_BLK, D), lambda i: (i, 0)),
    out_shape=jax.ShapeDtypeStruct((2 * N, D), jnp.float32),
)


def _tc_mid_body(acc_ref, g_ref, deg_ref, b_ref, w_ref, out_ref):
    dis = lax.rsqrt(deg_ref[:, 0:1] + 1.0)
    h = dis * (acc_ref[...] + g_ref[...]) + b_ref[...]
    h = jnp.maximum(h, 0.0)
    out_ref[...] = jnp.dot(h, w_ref[...],
                           preferred_element_type=jnp.float32) * dis


_tc_mid = pl.pallas_call(
    _tc_mid_body,
    grid=(_GRID,),
    in_specs=[
        pl.BlockSpec((_BLK, D), lambda i: (i, 0)),
        pl.BlockSpec((_BLK, D), lambda i: (i, 0)),
        pl.BlockSpec((_BLK, D), lambda i: (i, 0)),
        pl.BlockSpec((1, D), lambda i: (0, 0)),
        pl.BlockSpec((D, D), lambda i: (0, 0)),
    ],
    out_specs=pl.BlockSpec((_BLK, D), lambda i: (i, 0)),
    out_shape=jax.ShapeDtypeStruct((2 * N, D), jnp.float32),
)


def _tc_final_body(acc_ref, g_ref, deg_ref, b_ref, h_ref, s_ref, ss_ref):
    dis = lax.rsqrt(deg_ref[:, 0:1] + 1.0)
    h = dis * (acc_ref[...] + g_ref[...]) + b_ref[...]
    h_ref[...] = h
    s_ref[0, ...] = jnp.sum(h, axis=0, keepdims=True)
    ss_ref[0, ...] = jnp.sum(h * h, axis=0, keepdims=True)


_tc_final = pl.pallas_call(
    _tc_final_body,
    grid=(_GRID,),
    in_specs=[
        pl.BlockSpec((_BLK, D), lambda i: (i, 0)),
        pl.BlockSpec((_BLK, D), lambda i: (i, 0)),
        pl.BlockSpec((_BLK, D), lambda i: (i, 0)),
        pl.BlockSpec((1, D), lambda i: (0, 0)),
    ],
    out_specs=[
        pl.BlockSpec((_BLK, D), lambda i: (i, 0)),
        pl.BlockSpec((1, 1, D), lambda i: (i, 0, 0)),
        pl.BlockSpec((1, 1, D), lambda i: (i, 0, 0)),
    ],
    out_shape=[
        jax.ShapeDtypeStruct((2 * N, D), jnp.float32),
        jax.ShapeDtypeStruct((_GRID, 1, D), jnp.float32),
        jax.ShapeDtypeStruct((_GRID, 1, D), jnp.float32),
    ],
)


def _tc_norm_body(h_ref, s_ref, ss_ref, z_ref):
    gid = pl.program_id(0) // (_GRID // 2)
    rows = lax.broadcasted_iota(jnp.int32, (_GRID, 1, D), 0) // (_GRID // 2)
    mask = rows == gid
    s = jnp.sum(jnp.where(mask, s_ref[...], 0.0), axis=0)
    ss = jnp.sum(jnp.where(mask, ss_ref[...], 0.0), axis=0)
    n = jnp.float32(N)
    mean = s / n
    var = (ss - n * mean * mean) / (n - 1.0)
    z_ref[...] = (h_ref[...] - mean) * lax.rsqrt(var)


_tc_norm = pl.pallas_call(
    _tc_norm_body,
    grid=(_GRID,),
    in_specs=[
        pl.BlockSpec((_BLK, D), lambda i: (i, 0)),
        pl.BlockSpec((_GRID, 1, D), lambda i: (0, 0, 0)),
        pl.BlockSpec((_GRID, 1, D), lambda i: (0, 0, 0)),
    ],
    out_specs=pl.BlockSpec((_BLK, D), lambda i: (i, 0)),
    out_shape=jax.ShapeDtypeStruct((2 * N, D), jnp.float32),
)


def kernel(x1, edge_index1, x2, edge_index2, p1, p2, W1, b1, W2, b2):
    del p1, p2
    srcs = jnp.concatenate([edge_index1[0].astype(jnp.int32),
                            edge_index2[0].astype(jnp.int32) + N]
                           ).reshape(NC, NS, EPT)
    dsts = jnp.concatenate([edge_index1[1].astype(jnp.int32),
                            edge_index2[1].astype(jnp.int32)]
                           ).reshape(NC, NS, EPT)
    npad = EPT_P - EPT
    pad_src = jnp.broadcast_to(
        (jnp.arange(npad, dtype=jnp.int32) * 137) % (2 * N), (NC, NS, npad))
    pad_dst = jnp.broadcast_to(
        NJUNK + (jnp.arange(npad, dtype=jnp.int32) % 16), (NC, NS, npad))
    srcs = jnp.concatenate([srcs, pad_src], axis=2
                           ).reshape(NC, NS, NRELOAD, IBUF, CH)
    dsts = jnp.concatenate([dsts, pad_dst], axis=2
                           ).reshape(NC, NS, NRELOAD, IBUF, CH)
    xs = jnp.concatenate([x1, x2], axis=0)
    b1r = b1.reshape(1, D)
    b2r = b2.reshape(1, D)

    deg = _sc_degree(dsts).reshape(2 * N, D)

    g1 = _tc_prep(xs, W1, deg)
    acc1 = _sc_edge_pass(g1, srcs, dsts).reshape(2 * N, D)
    g2 = _tc_mid(acc1, g1, deg, b1r, W2)
    acc2 = _sc_edge_pass(g2, srcs, dsts).reshape(2 * N, D)
    h, s, ss = _tc_final(acc2, g2, deg, b2r)
    z = _tc_norm(h, s, ss)
    return (z[:N], z[N:])

# --- scband reference (transcript-rebuilt; emitter-appended) ---
"""Pipeline reference for scband-model-29867202576473 (READ-ONLY COPY).

The authoritative reference and input builder live on the scoring server;
editing this copy changes nothing except your own understanding.
"""

import jax, jax.numpy as jnp
import numpy as np

N_NODES = 10000
D = 128
E = 320000


def gcn_conv(x, edge_index, W, b):
    # PyG GCNConv: add self-loops, symmetric normalization D^-1/2 (A+I) D^-1/2 X W + b
    n = x.shape[0]
    loop = jnp.arange(n, dtype=edge_index.dtype)
    src = jnp.concatenate([edge_index[0], loop])
    dst = jnp.concatenate([edge_index[1], loop])
    deg = jnp.zeros((n,), dtype=x.dtype).at[dst].add(1.0)
    deg_inv_sqrt = jnp.where(deg > 0, 1.0 / jnp.sqrt(deg), 0.0)
    norm = deg_inv_sqrt[src] * deg_inv_sqrt[dst]
    h = x @ W
    msg = jnp.take(h, src, axis=0) * norm[:, None]
    out = jnp.zeros((n, W.shape[1]), dtype=x.dtype).at[dst].add(msg)
    return out + b


def backbone(x, edge_index, W1, b1, W2, b2):
    # GCN with n_layers=2, eval mode so dropout is a no-op
    h = jax.nn.relu(gcn_conv(x, edge_index, W1, b1))
    return gcn_conv(h, edge_index, W2, b2)


def standardize(h):
    # torch .std(0) is unbiased (ddof=1)
    return (h - h.mean(axis=0)) / jnp.std(h, axis=0, ddof=1)


def setup_inputs(seed: int = 0) -> dict:
    key = jax.random.key(seed)
    ks = jax.random.split(key, 8)
    x1 = jax.random.normal(ks[0], (N_NODES, D), dtype=jnp.float32)
    edge_index1 = jax.random.randint(ks[1], (2, E), 0, N_NODES)
    x2 = jax.random.normal(ks[2], (N_NODES, D), dtype=jnp.float32)
    edge_index2 = jax.random.randint(ks[3], (2, E), 0, N_NODES)
    W1 = jax.random.normal(ks[4], (D, D), dtype=jnp.float32) * (1.0 / np.sqrt(D))
    b1 = jnp.zeros((D,), dtype=jnp.float32)
    W2 = jax.random.normal(ks[5], (D, D), dtype=jnp.float32) * (1.0 / np.sqrt(D))
    b2 = jnp.zeros((D,), dtype=jnp.float32)
    return {"x1": x1, "edge_index1": edge_index1, "x2": x2, "edge_index2": edge_index2,
            "p1": 0, "p2": 0, "W1": W1, "b1": b1, "W2": W2, "b2": b2}


def reference(x1, edge_index1, x2, edge_index2, p1, p2, W1, b1, W2, b2):
    # p1/p2 are dropout probs; eval mode -> no-op
    h1 = backbone(x1, edge_index1, W1, b1, W2, b2)
    h2 = backbone(x2, edge_index2, W1, b1, W2, b2)
    z1 = standardize(h1)
    z2 = standardize(h2)
    return (z1, z2)

if __name__ == "__main__":
    import jax
    _d = setup_inputs()
    print(jax.jit(kernel)(*tuple(_d.values())))

</pallas_src>

<mosaic_0001>
#map = affine_map<(d0, d1) -> (0, 0)>
#map1 = affine_map<(d0, d1) -> (0, 0, 0, 0, 0)>
#map2 = affine_map<(d0, d1) -> (0, 0, 0)>
module attributes {stable_mosaic.version = 14 : i64} {
  func.func @_sc_edge_pass(%arg0: i32, %arg1: i32, %arg2: memref<20000x128xf32, #tpu.memory_space<hbm>>, %arg3: memref<2x16x5x32x128xi32, #tpu.memory_space<hbm>>, %arg4: memref<2x16x5x32x128xi32, #tpu.memory_space<hbm>>, %arg5: memref<2x10000x128xf32, #tpu.memory_space<hbm>>, %arg6: memref<10016x128xf32, #tpu.memory_space<vmem_shared>>, %arg7: memref<32x128xi32, #tpu.memory_space<vmem>>, %arg8: memref<32x128xi32, #tpu.memory_space<vmem>>, %arg9: memref<128x128xf32, #tpu.memory_space<vmem>>, %arg10: memref<128x128xf32, #tpu.memory_space<vmem>>, %arg11: memref<8x128xf32, #tpu.memory_space<vmem>>, %arg12: memref<!tpu.dma_semaphore, #tpu.memory_space<semaphore_mem>>, %arg13: memref<!tpu.dma_semaphore, #tpu.memory_space<semaphore_mem>>) attributes {dimension_semantics = [#tpu.dimension_semantics<core_parallel>, #tpu.dimension_semantics<subcore_parallel>], iteration_bounds = array<i64: 2, 16>, scalar_prefetch = 0 : i64, scratch_operands = 8 : i64, tpu.core_type = #tpu.core_type<sc_vector_subcore>, window_params = [{transform_indices = #map}, {transform_indices = #map1}, {transform_indices = #map1}, {transform_indices = #map2}]} {
    %mul3A = arith.constant 632 : i32
    %mul3A_0 = arith.muli %arg1, %mul3A : i32
    %min3A = arith.constant 9368 : i32
    %min3A_1 = arith.minsi %mul3A_0, %min3A : i32
    %scan3A = arith.constant 0 : i32
    %scan3A_2 = arith.constant 8 : i32
    %scan3A_3 = arith.addi %scan3A, %scan3A_2 : i32
    %scan3A_4 = arith.constant 1 : i32
    scf.for %scan3A_17 = %scan3A to %scan3A_3 step %scan3A_4  : i32 {
      %scan3A_18 = arith.constant 0 : i32
      %scan3A_19 = arith.constant 8 : i32
      %scan3A_20 = arith.addi %scan3A_18, %scan3A_19 : i32
      %scan3A_21 = arith.constant 1 : i32
      scf.for %scan3A_23 = %scan3A_18 to %scan3A_20 step %scan3A_21  : i32 {
        %broadcast_in_dim3A = arith.constant 0.000000e+00 : f32
        %broadcast_in_dim3A_24 = vector.broadcast %broadcast_in_dim3A : f32 to vector<16xf32>
        %mul3A_25 = arith.constant 16 : i32
        %mul3A_26 = arith.muli %scan3A_23, %mul3A_25 : i32
        %swap3A = arith.index_cast %scan3A_17 : i32 to index
        %swap3A_27 = arith.index_cast %mul3A_26 : i32 to index
        %swap3A_28 = tpu.vector_load %arg11[%swap3A, %swap3A_27] {strides = array<i32>} : memref<8x128xf32, #tpu.memory_space<vmem>>, vector<1x16xf32>,
        %swap3A_29 = vector.shape_cast %swap3A_28 : vector<1x16xf32> to vector<16xf32>
        %swap3A_30 = vector.shape_cast %broadcast_in_dim3A_24 : vector<16xf32> to vector<1x16xf32>
        tpu.vector_store %arg11[%swap3A, %swap3A_27], %swap3A_30 {strides = array<i32>} : memref<8x128xf32, #tpu.memory_space<vmem>>, vector<1x16xf32>,
      }
      %scan3A_22 = arith.constant 8 : i32
    }
    %scan3A_5 = arith.constant 8 : i32
    %scan3A_6 = arith.constant 0 : i32
    %scan3A_7 = arith.constant 79 : i32
    %scan3A_8 = arith.addi %scan3A_6, %scan3A_7 : i32
    %scan3A_9 = arith.constant 1 : i32
    scf.for %scan3A_17 = %scan3A_6 to %scan3A_8 step %scan3A_9  : i32 {
      %mul3A_18 = arith.constant 8 : i32
      %mul3A_19 = arith.muli %scan3A_17, %mul3A_18 : i32
      %add3A = arith.addi %min3A_1, %mul3A_19 : i32
      "tpu.region"() ({
        %run_scoped3A = tpu.sem_alloc : memref<!tpu.dma_semaphore, #tpu.memory_space<semaphore_mem>>
        %dma_start3A = arith.constant 0 : i32
        %dma_start3A_20 = tpu.memref_slice %arg6[%add3A, %dma_start3A] : memref<10016x128xf32, #tpu.memory_space<vmem_shared>> -> memref<8x128xf32, #tpu.memory_space<vmem_shared>>
        %dma_start3A_21 = arith.constant 0 : i32
        %dma_start3A_22 = tpu.memref_slice %arg6[%add3A, %dma_start3A_21] : memref<10016x128xf32, #tpu.memory_space<vmem_shared>> -> memref<8x128xf32, #tpu.memory_space<vmem_shared>>
        tpu.enqueue_dma source(%arg11 : memref<8x128xf32, #tpu.memory_space<vmem>>) target(%dma_start3A_22 : memref<8x128xf32, #tpu.memory_space<vmem_shared>>) target_semaphore(%run_scoped3A : memref<!tpu.dma_semaphore, #tpu.memory_space<semaphore_mem>>)
        %dma_wait3A = arith.constant 0 : i32
        %dma_wait3A_23 = tpu.memref_slice %arg6[%add3A, %dma_wait3A] : memref<10016x128xf32, #tpu.memory_space<vmem_shared>> -> memref<8x128xf32, #tpu.memory_space<vmem_shared>>
        %dma_wait3A_24 = arith.constant 0 : i32
        %dma_wait3A_25 = tpu.memref_slice %arg6[%add3A, %dma_wait3A_24] : memref<10016x128xf32, #tpu.memory_space<vmem_shared>> -> memref<8x128xf32, #tpu.memory_space<vmem_shared>>
        tpu.wait_dma2 semaphore(%run_scoped3A : memref<!tpu.dma_semaphore, #tpu.memory_space<semaphore_mem>>) src(%arg11 : memref<8x128xf32, #tpu.memory_space<vmem>>) dst(%dma_wait3A_25 : memref<8x128xf32, #tpu.memory_space<vmem_shared>>)
        tpu.yield
      }) : () -> ()
    }
    %scan3A_10 = arith.constant 79 : i32
    %barrier3A = arith.constant 0 : index
    tpu.barrier barrier_id(%barrier3A)
    %scan3A_11 = arith.constant 0 : i32
    %scan3A_12 = arith.constant 5 : i32
    %scan3A_13 = arith.addi %scan3A_11, %scan3A_12 : i32
    %scan3A_14 = arith.constant 1 : i32
    scf.for %scan3A_17 = %scan3A_11 to %scan3A_13 step %scan3A_14  : i32 {
      "tpu.region"() ({
        %run_scoped3A = tpu.sem_alloc : memref<!tpu.dma_semaphore, #tpu.memory_space<semaphore_mem>>
        %dma_start3A_35 = arith.constant 0 : i32
        %dma_start3A_36 = arith.constant 0 : i32
        %dma_start3A_37 = tpu.memref_slice %arg3[%arg0, %arg1, %scan3A_17, %dma_start3A_35, %dma_start3A_36] : memref<2x16x5x32x128xi32, #tpu.memory_space<hbm>> -> memref<1x1x1x32x128xi32, #tpu.memory_space<hbm>>
        %dma_start3A_38 = tpu.memref_squeeze %dma_start3A_37 : memref<1x1x1x32x128xi32, #tpu.memory_space<hbm>> -> memref<32x128xi32, #tpu.memory_space<hbm>>
        %dma_start3A_39 = arith.constant 0 : i32
        %dma_start3A_40 = arith.constant 0 : i32
        %dma_start3A_41 = tpu.memref_slice %arg3[%arg0, %arg1, %scan3A_17, %dma_start3A_39, %dma_start3A_40] : memref<2x16x5x32x128xi32, #tpu.memory_space<hbm>> -> memref<1x1x1x32x128xi32, #tpu.memory_space<hbm>>
        %dma_start3A_42 = tpu.memref_squeeze %dma_start3A_41 : memref<1x1x1x32x128xi32, #tpu.memory_space<hbm>> -> memref<32x128xi32, #tpu.memory_space<hbm>>
        tpu.enqueue_dma source(%dma_start3A_42 : memref<32x128xi32, #tpu.memory_space<hbm>>) target(%arg7 : memref<32x128xi32, #tpu.memory_space<vmem>>) target_semaphore(%run_scoped3A : memref<!tpu.dma_semaphore, #tpu.memory_space<semaphore_mem>>)
        %dma_wait3A_43 = arith.constant 0 : i32
        %dma_wait3A_44 = arith.constant 0 : i32
        %dma_wait3A_45 = tpu.memref_slice %arg3[%arg0, %arg1, %scan3A_17, %dma_wait3A_43, %dma_wait3A_44] : memref<2x16x5x32x128xi32, #tpu.memory_space<hbm>> -> memref<1x1x1x32x128xi32, #tpu.memory_space<hbm>>
        %dma_wait3A_46 = tpu.memref_squeeze %dma_wait3A_45 : memref<1x1x1x32x128xi32, #tpu.memory_space<hbm>> -> memref<32x128xi32, #tpu.memory_space<hbm>>
        %dma_wait3A_47 = arith.constant 0 : i32
        %dma_wait3A_48 = arith.constant 0 : i32
        %dma_wait3A_49 = tpu.memref_slice %arg3[%arg0, %arg1, %scan3A_17, %dma_wait3A_47, %dma_wait3A_48] : memref<2x16x5x32x128xi32, #tpu.memory_space<hbm>> -> memref<1x1x1x32x128xi32, #tpu.memory_space<hbm>>
        %dma_wait3A_50 = tpu.memref_squeeze %dma_wait3A_49 : memref<1x1x1x32x128xi32, #tpu.memory_space<hbm>> -> memref<32x128xi32, #tpu.memory_space<hbm>>
        tpu.wait_dma2 semaphore(%run_scoped3A : memref<!tpu.dma_semaphore, #tpu.memory_space<semaphore_mem>>) src(%dma_wait3A_50 : memref<32x128xi32, #tpu.memory_space<hbm>>) dst(%arg7 : memref<32x128xi32, #tpu.memory_space<vmem>>)
        tpu.yield
      }) : () -> ()
      "tpu.region"() ({
        %run_scoped3A = tpu.sem_alloc : memref<!tpu.dma_semaphore, #tpu.memory_space<semaphore_mem>>
        %dma_start3A_35 = arith.constant 0 : i32
        %dma_start3A_36 = arith.constant 0 : i32
        %dma_start3A_37 = tpu.memref_slice %arg4[%arg0, %arg1, %scan3A_17, %dma_start3A_35, %dma_start3A_36] : memref<2x16x5x32x128xi32, #tpu.memory_space<hbm>> -> memref<1x1x1x32x128xi32, #tpu.memory_space<hbm>>
        %dma_start3A_38 = tpu.memref_squeeze %dma_start3A_37 : memref<1x1x1x32x128xi32, #tpu.memory_space<hbm>> -> memref<32x128xi32, #tpu.memory_space<hbm>>
        %dma_start3A_39 = arith.constant 0 : i32
        %dma_start3A_40 = arith.constant 0 : i32
        %dma_start3A_41 = tpu.memref_slice %arg4[%arg0, %arg1, %scan3A_17, %dma_start3A_39, %dma_start3A_40] : memref<2x16x5x32x128xi32, #tpu.memory_space<hbm>> -> memref<1x1x1x32x128xi32, #tpu.memory_space<hbm>>
        %dma_start3A_42 = tpu.memref_squeeze %dma_start3A_41 : memref<1x1x1x32x128xi32, #tpu.memory_space<hbm>> -> memref<32x128xi32, #tpu.memory_space<hbm>>
        tpu.enqueue_dma source(%dma_start3A_42 : memref<32x128xi32, #tpu.memory_space<hbm>>) target(%arg8 : memref<32x128xi32, #tpu.memory_space<vmem>>) target_semaphore(%run_scoped3A : memref<!tpu.dma_semaphore, #tpu.memory_space<semaphore_mem>>)
        %dma_wait3A_43 = arith.constant 0 : i32
        %dma_wait3A_44 = arith.constant 0 : i32
        %dma_wait3A_45 = tpu.memref_slice %arg4[%arg0, %arg1, %scan3A_17, %dma_wait3A_43, %dma_wait3A_44] : memref<2x16x5x32x128xi32, #tpu.memory_space<hbm>> -> memref<1x1x1x32x128xi32, #tpu.memory_space<hbm>>
        %dma_wait3A_46 = tpu.memref_squeeze %dma_wait3A_45 : memref<1x1x1x32x128xi32, #tpu.memory_space<hbm>> -> memref<32x128xi32, #tpu.memory_space<hbm>>
        %dma_wait3A_47 = arith.constant 0 : i32
        %dma_wait3A_48 = arith.constant 0 : i32
        %dma_wait3A_49 = tpu.memref_slice %arg4[%arg0, %arg1, %scan3A_17, %dma_wait3A_47, %dma_wait3A_48] : memref<2x16x5x32x128xi32, #tpu.memory_space<hbm>> -> memref<1x1x1x32x128xi32, #tpu.memory_space<hbm>>
        %dma_wait3A_50 = tpu.memref_squeeze %dma_wait3A_49 : memref<1x1x1x32x128xi32, #tpu.memory_space<hbm>> -> memref<32x128xi32, #tpu.memory_space<hbm>>
        tpu.wait_dma2 semaphore(%run_scoped3A : memref<!tpu.dma_semaphore, #tpu.memory_space<semaphore_mem>>) src(%dma_wait3A_50 : memref<32x128xi32, #tpu.memory_space<hbm>>) dst(%arg8 : memref<32x128xi32, #tpu.memory_space<vmem>>)
        tpu.yield
      }) : () -> ()
      %dma_start3A = arith.constant 0 : i32
      %dma_start3A_18 = arith.constant 0 : i32
      %dma_start3A_19 = tpu.memref_slice %arg7[%dma_start3A, %dma_start3A_18] : memref<32x128xi32, #tpu.memory_space<vmem>> -> memref<1x128xi32, #tpu.memory_space<vmem>>
      %dma_start3A_20 = tpu.memref_squeeze %dma_start3A_19 : memref<1x128xi32, #tpu.memory_space<vmem>> -> memref<128xi32, #tpu.memory_space<vmem>>
      %dma_start3A_21 = arith.constant 0 : i32
      %dma_start3A_22 = arith.constant 0 : i32
      %dma_start3A_23 = tpu.memref_slice %arg2[%dma_start3A_21, %dma_start3A_22] : memref<20000x128xf32, #tpu.memory_space<hbm>> -> memref<20000x128xf32, #tpu.memory_space<hbm>>
      tpu.enqueue_indirect_dma source(%dma_start3A_23 : memref<20000x128xf32, #tpu.memory_space<hbm>>) target(%arg9 : memref<128x128xf32, #tpu.memory_space<vmem>>) offsets(%dma_start3A_20 : memref<128xi32, #tpu.memory_space<vmem>>) semaphore(%arg12 : memref<!tpu.dma_semaphore, #tpu.memory_space<semaphore_mem>>)
      %scan3A_24 = arith.constant 0 : i32
      %scan3A_25 = arith.constant 16 : i32
      %scan3A_26 = arith.addi %scan3A_24, %scan3A_25 : i32
      %scan3A_27 = arith.constant 1 : i32
      scf.for %scan3A_35 = %scan3A_24 to %scan3A_26 step %scan3A_27  : i32 {
        %mul3A_36 = arith.constant 2 : i32
        %mul3A_37 = arith.muli %mul3A_36, %scan3A_35 : i32
        %add3A = arith.constant 1 : i32
        %add3A_38 = arith.addi %mul3A_37, %add3A : i32
        %dma_start3A_39 = arith.constant 0 : i32
        %dma_start3A_40 = tpu.memref_slice %arg7[%add3A_38, %dma_start3A_39] : memref<32x128xi32, #tpu.memory_space<vmem>> -> memref<1x128xi32, #tpu.memory_space<vmem>>
        %dma_start3A_41 = tpu.memref_squeeze %dma_start3A_40 : memref<1x128xi32, #tpu.memory_space<vmem>> -> memref<128xi32, #tpu.memory_space<vmem>>
        %dma_start3A_42 = arith.constant 0 : i32
        %dma_start3A_43 = arith.constant 0 : i32
        %dma_start3A_44 = tpu.memref_slice %arg2[%dma_start3A_42, %dma_start3A_43] : memref<20000x128xf32, #tpu.memory_space<hbm>> -> memref<20000x128xf32, #tpu.memory_space<hbm>>
        tpu.enqueue_indirect_dma source(%dma_start3A_44 : memref<20000x128xf32, #tpu.memory_space<hbm>>) target(%arg10 : memref<128x128xf32, #tpu.memory_space<vmem>>) offsets(%dma_start3A_41 : memref<128xi32, #tpu.memory_space<vmem>>) semaphore(%arg13 : memref<!tpu.dma_semaphore, #tpu.memory_space<semaphore_mem>>)
        %dma_wait3A_45 = arith.constant 0 : i32
        %dma_wait3A_46 = tpu.memref_slice %arg7[%mul3A_37, %dma_wait3A_45] : memref<32x128xi32, #tpu.memory_space<vmem>> -> memref<1x128xi32, #tpu.memory_space<vmem>>
        %dma_wait3A_47 = tpu.memref_squeeze %dma_wait3A_46 : memref<1x128xi32, #tpu.memory_space<vmem>> -> memref<128xi32, #tpu.memory_space<vmem>>
        %dma_wait3A_48 = arith.constant 0 : i32
        %dma_wait3A_49 = arith.constant 0 : i32
        %dma_wait3A_50 = tpu.memref_slice %arg2[%dma_wait3A_48, %dma_wait3A_49] : memref<20000x128xf32, #tpu.memory_space<hbm>> -> memref<20000x128xf32, #tpu.memory_space<hbm>>
        tpu.wait_indirect_dma semaphore(%arg12 : memref<!tpu.dma_semaphore, #tpu.memory_space<semaphore_mem>>) src(%dma_wait3A_50 : memref<20000x128xf32, #tpu.memory_space<hbm>>) dst(%arg9 : memref<128x128xf32, #tpu.memory_space<vmem>>)
        "tpu.region"() ({
          %run_scoped3A = tpu.sem_alloc : memref<!tpu.dma_semaphore, #tpu.memory_space<semaphore_mem>>
          %dma_start3A_71 = arith.constant 0 : i32
          %dma_start3A_72 = tpu.memref_slice %arg8[%mul3A_37, %dma_start3A_71] : memref<32x128xi32, #tpu.memory_space<vmem>> -> memref<1x128xi32, #tpu.memory_space<vmem>>
          %dma_start3A_73 = tpu.memref_squeeze %dma_start3A_72 : memref<1x128xi32, #tpu.memory_space<vmem>> -> memref<128xi32, #tpu.memory_space<vmem>>
          %dma_start3A_74 = arith.constant 0 : i32
          %dma_start3A_75 = arith.constant 0 : i32
          %dma_start3A_76 = tpu.memref_slice %arg6[%dma_start3A_74, %dma_start3A_75] : memref<10016x128xf32, #tpu.memory_space<vmem_shared>> -> memref<10016x128xf32, #tpu.memory_space<vmem_shared>>
          tpu.enqueue_indirect_dma source(%arg9 : memref<128x128xf32, #tpu.memory_space<vmem>>) target(%dma_start3A_76 : memref<10016x128xf32, #tpu.memory_space<vmem_shared>>) offsets(%dma_start3A_73 : memref<128xi32, #tpu.memory_space<vmem>>) semaphore(%run_scoped3A : memref<!tpu.dma_semaphore, #tpu.memory_space<semaphore_mem>>) {add = true}
          %dma_wait3A_77 = arith.constant 0 : i32
          %dma_wait3A_78 = tpu.memref_slice %arg8[%mul3A_37, %dma_wait3A_77] : memref<32x128xi32, #tpu.memory_space<vmem>> -> memref<1x128xi32, #tpu.memory_space<vmem>>
          %dma_wait3A_79 = tpu.memref_squeeze %dma_wait3A_78 : memref<1x128xi32, #tpu.memory_space<vmem>> -> memref<128xi32, #tpu.memory_space<vmem>>
          %dma_wait3A_80 = arith.constant 0 : i32
          %dma_wait3A_81 = arith.constant 0 : i32
          %dma_wait3A_82 = tpu.memref_slice %arg6[%dma_wait3A_80, %dma_wait3A_81] : memref<10016x128xf32, #tpu.memory_space<vmem_shared>> -> memref<10016x128xf32, #tpu.memory_space<vmem_shared>>
          tpu.wait_indirect_dma semaphore(%run_scoped3A : memref<!tpu.dma_semaphore, #tpu.memory_space<semaphore_mem>>) src(%arg9 : memref<128x128xf32, #tpu.memory_space<vmem>>) dst(%dma_wait3A_82 : memref<10016x128xf32, #tpu.memory_space<vmem_shared>>)
          tpu.yield
        }) : () -> ()
        %add3A_51 = arith.constant 2 : i32
        %add3A_52 = arith.addi %mul3A_37, %add3A_51 : i32
        %min3A_53 = arith.constant 31 : i32
        %min3A_54 = arith.minsi %add3A_52, %min3A_53 : i32
        %dma_start3A_55 = arith.constant 0 : i32
        %dma_start3A_56 = tpu.memref_slice %arg7[%min3A_54, %dma_start3A_55] : memref<32x128xi32, #tpu.memory_space<vmem>> -> memref<1x128xi32, #tpu.memory_space<vmem>>
        %dma_start3A_57 = tpu.memref_squeeze %dma_start3A_56 : memref<1x128xi32, #tpu.memory_space<vmem>> -> memref<128xi32, #tpu.memory_space<vmem>>
        %dma_start3A_58 = arith.constant 0 : i32
        %dma_start3A_59 = arith.constant 0 : i32
        %dma_start3A_60 = tpu.memref_slice %arg2[%dma_start3A_58, %dma_start3A_59] : memref<20000x128xf32, #tpu.memory_space<hbm>> -> memref<20000x128xf32, #tpu.memory_space<hbm>>
        tpu.enqueue_indirect_dma source(%dma_start3A_60 : memref<20000x128xf32, #tpu.memory_space<hbm>>) target(%arg9 : memref<128x128xf32, #tpu.memory_space<vmem>>) offsets(%dma_start3A_57 : memref<128xi32, #tpu.memory_space<vmem>>) semaphore(%arg12 : memref<!tpu.dma_semaphore, #tpu.memory_space<semaphore_mem>>)
        %add3A_61 = arith.constant 1 : i32
        %add3A_62 = arith.addi %mul3A_37, %add3A_61 : i32
        %dma_wait3A_63 = arith.constant 0 : i32
        %dma_wait3A_64 = tpu.memref_slice %arg7[%add3A_62, %dma_wait3A_63] : memref<32x128xi32, #tpu.memory_space<vmem>> -> memref<1x128xi32, #tpu.memory_space<vmem>>
        %dma_wait3A_65 = tpu.memref_squeeze %dma_wait3A_64 : memref<1x128xi32, #tpu.memory_space<vmem>> -> memref<128xi32, #tpu.memory_space<vmem>>
        %dma_wait3A_66 = arith.constant 0 : i32
        %dma_wait3A_67 = arith.constant 0 : i32
        %dma_wait3A_68 = tpu.memref_slice %arg2[%dma_wait3A_66, %dma_wait3A_67] : memref<20000x128xf32, #tpu.memory_space<hbm>> -> memref<20000x128xf32, #tpu.memory_space<hbm>>
        tpu.wait_indirect_dma semaphore(%arg13 : memref<!tpu.dma_semaphore, #tpu.memory_space<semaphore_mem>>) src(%dma_wait3A_68 : memref<20000x128xf32, #tpu.memory_space<hbm>>) dst(%arg10 : memref<128x128xf32, #tpu.memory_space<vmem>>)
        %add3A_69 = arith.constant 1 : i32
        %add3A_70 = arith.addi %mul3A_37, %add3A_69 : i32
        "tpu.region"() ({
          %run_scoped3A = tpu.sem_alloc : memref<!tpu.dma_semaphore, #tpu.memory_space<semaphore_mem>>
          %dma_start3A_71 = arith.constant 0 : i32
          %dma_start3A_72 = tpu.memref_slice %arg8[%add3A_70, %dma_start3A_71] : memref<32x128xi32, #tpu.memory_space<vmem>> -> memref<1x128xi32, #tpu.memory_space<vmem>>
          %dma_start3A_73 = tpu.memref_squeeze %dma_start3A_72 : memref<1x128xi32, #tpu.memory_space<vmem>> -> memref<128xi32, #tpu.memory_space<vmem>>
          %dma_start3A_74 = arith.constant 0 : i32
          %dma_start3A_75 = arith.constant 0 : i32
          %dma_start3A_76 = tpu.memref_slice %arg6[%dma_start3A_74, %dma_start3A_75] : memref<10016x128xf32, #tpu.memory_space<vmem_shared>> -> memref<10016x128xf32, #tpu.memory_space<vmem_shared>>
          tpu.enqueue_indirect_dma source(%arg10 : memref<128x128xf32, #tpu.memory_space<vmem>>) target(%dma_start3A_76 : memref<10016x128xf32, #tpu.memory_space<vmem_shared>>) offsets(%dma_start3A_73 : memref<128xi32, #tpu.memory_space<vmem>>) semaphore(%run_scoped3A : memref<!tpu.dma_semaphore, #tpu.memory_space<semaphore_mem>>) {add = true}
          %dma_wait3A_77 = arith.constant 0 : i32
          %dma_wait3A_78 = tpu.memref_slice %arg8[%add3A_70, %dma_wait3A_77] : memref<32x128xi32, #tpu.memory_space<vmem>> -> memref<1x128xi32, #tpu.memory_space<vmem>>
          %dma_wait3A_79 = tpu.memref_squeeze %dma_wait3A_78 : memref<1x128xi32, #tpu.memory_space<vmem>> -> memref<128xi32, #tpu.memory_space<vmem>>
          %dma_wait3A_80 = arith.constant 0 : i32
          %dma_wait3A_81 = arith.constant 0 : i32
          %dma_wait3A_82 = tpu.memref_slice %arg6[%dma_wait3A_80, %dma_wait3A_81] : memref<10016x128xf32, #tpu.memory_space<vmem_shared>> -> memref<10016x128xf32, #tpu.memory_space<vmem_shared>>
          tpu.wait_indirect_dma semaphore(%run_scoped3A : memref<!tpu.dma_semaphore, #tpu.memory_space<semaphore_mem>>) src(%arg10 : memref<128x128xf32, #tpu.memory_space<vmem>>) dst(%dma_wait3A_82 : memref<10016x128xf32, #tpu.memory_space<vmem_shared>>)
          tpu.yield
        }) : () -> ()
      }
      %scan3A_28 = arith.constant 16 : i32
      %dma_wait3A = arith.constant 31 : i32
      %dma_wait3A_29 = arith.constant 0 : i32
      %dma_wait3A_30 = tpu.memref_slice %arg7[%dma_wait3A, %dma_wait3A_29] : memref<32x128xi32, #tpu.memory_space<vmem>> -> memref<1x128xi32, #tpu.memory_space<vmem>>
      %dma_wait3A_31 = tpu.memref_squeeze %dma_wait3A_30 : memref<1x128xi32, #tpu.memory_space<vmem>> -> memref<128xi32, #tpu.memory_space<vmem>>
      %dma_wait3A_32 = arith.constant 0 : i32
      %dma_wait3A_33 = arith.constant 0 : i32
      %dma_wait3A_34 = tpu.memref_slice %arg2[%dma_wait3A_32, %dma_wait3A_33] : memref<20000x128xf32, #tpu.memory_space<hbm>> -> memref<20000x128xf32, #tpu.memory_space<hbm>>
      tpu.wait_indirect_dma semaphore(%arg12 : memref<!tpu.dma_semaphore, #tpu.memory_space<semaphore_mem>>) src(%dma_wait3A_34 : memref<20000x128xf32, #tpu.memory_space<hbm>>) dst(%arg9 : memref<128x128xf32, #tpu.memory_space<vmem>>)
    }
    %scan3A_15 = arith.constant 5 : i32
    %barrier3A_16 = arith.constant 0 : index
    tpu.barrier barrier_id(%barrier3A_16)
    "tpu.region"() ({
      %run_scoped3A = tpu.sem_alloc : memref<!tpu.dma_semaphore, #tpu.memory_space<semaphore_mem>>
      %dma_start3A = arith.constant 0 : i32
      %dma_start3A_17 = tpu.memref_slice %arg5[%arg0, %min3A_1, %dma_start3A] : memref<2x10000x128xf32, #tpu.memory_space<hbm>> -> memref<1x632x128xf32, #tpu.memory_space<hbm>>
      %dma_start3A_18 = tpu.memref_squeeze %dma_start3A_17 : memref<1x632x128xf32, #tpu.memory_space<hbm>> -> memref<632x128xf32, #tpu.memory_space<hbm>>
      %dma_start3A_19 = arith.constant 0 : i32
      %dma_start3A_20 = tpu.memref_slice %arg6[%min3A_1, %dma_start3A_19] : memref<10016x128xf32, #tpu.memory_space<vmem_shared>> -> memref<632x128xf32, #tpu.memory_space<vmem_shared>>
      tpu.enqueue_dma source(%dma_start3A_20 : memref<632x128xf32, #tpu.memory_space<vmem_shared>>) target(%dma_start3A_18 : memref<632x128xf32, #tpu.memory_space<hbm>>) target_semaphore(%run_scoped3A : memref<!tpu.dma_semaphore, #tpu.memory_space<semaphore_mem>>)
      %dma_wait3A = arith.constant 0 : i32
      %dma_wait3A_21 = tpu.memref_slice %arg5[%arg0, %min3A_1, %dma_wait3A] : memref<2x10000x128xf32, #tpu.memory_space<hbm>> -> memref<1x632x128xf32, #tpu.memory_space<hbm>>
      %dma_wait3A_22 = tpu.memref_squeeze %dma_wait3A_21 : memref<1x632x128xf32, #tpu.memory_space<hbm>> -> memref<632x128xf32, #tpu.memory_space<hbm>>
      %dma_wait3A_23 = arith.constant 0 : i32
      %dma_wait3A_24 = tpu.memref_slice %arg6[%min3A_1, %dma_wait3A_23] : memref<10016x128xf32, #tpu.memory_space<vmem_shared>> -> memref<632x128xf32, #tpu.memory_space<vmem_shared>>
      tpu.wait_dma2 semaphore(%run_scoped3A : memref<!tpu.dma_semaphore, #tpu.memory_space<semaphore_mem>>) src(%dma_wait3A_24 : memref<632x128xf32, #tpu.memory_space<vmem_shared>>) dst(%dma_wait3A_22 : memref<632x128xf32, #tpu.memory_space<hbm>>)
      tpu.yield
    }) : () -> ()
    return
  }
}

#map = affine_map<(d0, d1) -> (0, 0, 0, 0, 0)>
#map1 = affine_map<(d0, d1) -> (0, 0, 0)>
module attributes {stable_mosaic.version = 14 : i64} {
  func.func @_sc_degree(%arg0: i32, %arg1: i32, %arg2: memref<2x16x5x32x128xi32, #tpu.memory_space<hbm>>, %arg3: memref<2x10000x128xf32, #tpu.memory_space<hbm>>, %arg4: memref<10016x128xf32, #tpu.memory_space<vmem_shared>>, %arg5: memref<32x128xi32, #tpu.memory_space<vmem>>, %arg6: memref<128x128xf32, #tpu.memory_space<vmem>>, %arg7: memref<8x128xf32, #tpu.memory_space<vmem>>) attributes {dimension_semantics = [#tpu.dimension_semantics<core_parallel>, #tpu.dimension_semantics<subcore_parallel>], iteration_bounds = array<i64: 2, 16>, scalar_prefetch = 0 : i64, scratch_operands = 4 : i64, tpu.core_type = #tpu.core_type<sc_vector_subcore>, window_params = [{transform_indices = #map}, {transform_indices = #map1}]} {
    %mul3A = arith.constant 632 : i32
    %mul3A_0 = arith.muli %arg1, %mul3A : i32
    %min3A = arith.constant 9368 : i32
    %min3A_1 = arith.minsi %mul3A_0, %min3A : i32
    %scan3A = arith.constant 0 : i32
    %scan3A_2 = arith.constant 8 : i32
    %scan3A_3 = arith.addi %scan3A, %scan3A_2 : i32
    %scan3A_4 = arith.constant 1 : i32
    scf.for %scan3A_22 = %scan3A to %scan3A_3 step %scan3A_4  : i32 {
      %scan3A_23 = arith.constant 0 : i32
      %scan3A_24 = arith.constant 8 : i32
      %scan3A_25 = arith.addi %scan3A_23, %scan3A_24 : i32
      %scan3A_26 = arith.constant 1 : i32
      scf.for %scan3A_28 = %scan3A_23 to %scan3A_25 step %scan3A_26  : i32 {
        %broadcast_in_dim3A = arith.constant 0.000000e+00 : f32
        %broadcast_in_dim3A_29 = vector.broadcast %broadcast_in_dim3A : f32 to vector<16xf32>
        %mul3A_30 = arith.constant 16 : i32
        %mul3A_31 = arith.muli %scan3A_28, %mul3A_30 : i32
        %swap3A = arith.index_cast %scan3A_22 : i32 to index
        %swap3A_32 = arith.index_cast %mul3A_31 : i32 to index
        %swap3A_33 = tpu.vector_load %arg7[%swap3A, %swap3A_32] {strides = array<i32>} : memref<8x128xf32, #tpu.memory_space<vmem>>, vector<1x16xf32>,
        %swap3A_34 = vector.shape_cast %swap3A_33 : vector<1x16xf32> to vector<16xf32>
        %swap3A_35 = vector.shape_cast %broadcast_in_dim3A_29 : vector<16xf32> to vector<1x16xf32>
        tpu.vector_store %arg7[%swap3A, %swap3A_32], %swap3A_35 {strides = array<i32>} : memref<8x128xf32, #tpu.memory_space<vmem>>, vector<1x16xf32>,
      }
      %scan3A_27 = arith.constant 8 : i32
    }
    %scan3A_5 = arith.constant 8 : i32
    %scan3A_6 = arith.constant 0 : i32
    %scan3A_7 = arith.constant 128 : i32
    %scan3A_8 = arith.addi %scan3A_6, %scan3A_7 : i32
    %scan3A_9 = arith.constant 1 : i32
    scf.for %scan3A_22 = %scan3A_6 to %scan3A_8 step %scan3A_9  : i32 {
      %scan3A_23 = arith.constant 0 : i32
      %scan3A_24 = arith.constant 8 : i32
      %scan3A_25 = arith.addi %scan3A_23, %scan3A_24 : i32
      %scan3A_26 = arith.constant 1 : i32
      scf.for %scan3A_28 = %scan3A_23 to %scan3A_25 step %scan3A_26  : i32 {
        %broadcast_in_dim3A = arith.constant 1.000000e+00 : f32
        %broadcast_in_dim3A_29 = vector.broadcast %broadcast_in_dim3A : f32 to vector<16xf32>
        %mul3A_30 = arith.constant 16 : i32
        %mul3A_31 = arith.muli %scan3A_28, %mul3A_30 : i32
        %swap3A = arith.index_cast %scan3A_22 : i32 to index
        %swap3A_32 = arith.index_cast %mul3A_31 : i32 to index
        %swap3A_33 = tpu.vector_load %arg6[%swap3A, %swap3A_32] {strides = array<i32>} : memref<128x128xf32, #tpu.memory_space<vmem>>, vector<1x16xf32>,
        %swap3A_34 = vector.shape_cast %swap3A_33 : vector<1x16xf32> to vector<16xf32>
        %swap3A_35 = vector.shape_cast %broadcast_in_dim3A_29 : vector<16xf32> to vector<1x16xf32>
        tpu.vector_store %arg6[%swap3A, %swap3A_32], %swap3A_35 {strides = array<i32>} : memref<128x128xf32, #tpu.memory_space<vmem>>, vector<1x16xf32>,
      }
      %scan3A_27 = arith.constant 8 : i32
    }
    %scan3A_10 = arith.constant 128 : i32
    %scan3A_11 = arith.constant 0 : i32
    %scan3A_12 = arith.constant 79 : i32
    %scan3A_13 = arith.addi %scan3A_11, %scan3A_12 : i32
    %scan3A_14 = arith.constant 1 : i32
    scf.for %scan3A_22 = %scan3A_11 to %scan3A_13 step %scan3A_14  : i32 {
      %mul3A_23 = arith.constant 8 : i32
      %mul3A_24 = arith.muli %scan3A_22, %mul3A_23 : i32
      %add3A = arith.addi %min3A_1, %mul3A_24 : i32
      "tpu.region"() ({
        %run_scoped3A = tpu.sem_alloc : memref<!tpu.dma_semaphore, #tpu.memory_space<semaphore_mem>>
        %dma_start3A = arith.constant 0 : i32
        %dma_start3A_25 = tpu.memref_slice %arg4[%add3A, %dma_start3A] : memref<10016x128xf32, #tpu.memory_space<vmem_shared>> -> memref<8x128xf32, #tpu.memory_space<vmem_shared>>
        %dma_start3A_26 = arith.constant 0 : i32
        %dma_start3A_27 = tpu.memref_slice %arg4[%add3A, %dma_start3A_26] : memref<10016x128xf32, #tpu.memory_space<vmem_shared>> -> memref<8x128xf32, #tpu.memory_space<vmem_shared>>
        tpu.enqueue_dma source(%arg7 : memref<8x128xf32, #tpu.memory_space<vmem>>) target(%dma_start3A_27 : memref<8x128xf32, #tpu.memory_space<vmem_shared>>) target_semaphore(%run_scoped3A : memref<!tpu.dma_semaphore, #tpu.memory_space<semaphore_mem>>)
        %dma_wait3A = arith.constant 0 : i32
        %dma_wait3A_28 = tpu.memref_slice %arg4[%add3A, %dma_wait3A] : memref<10016x128xf32, #tpu.memory_space<vmem_shared>> -> memref<8x128xf32, #tpu.memory_space<vmem_shared>>
        %dma_wait3A_29 = arith.constant 0 : i32
        %dma_wait3A_30 = tpu.memref_slice %arg4[%add3A, %dma_wait3A_29] : memref<10016x128xf32, #tpu.memory_space<vmem_shared>> -> memref<8x128xf32, #tpu.memory_space<vmem_shared>>
        tpu.wait_dma2 semaphore(%run_scoped3A : memref<!tpu.dma_semaphore, #tpu.memory_space<semaphore_mem>>) src(%arg7 : memref<8x128xf32, #tpu.memory_space<vmem>>) dst(%dma_wait3A_30 : memref<8x128xf32, #tpu.memory_space<vmem_shared>>)
        tpu.yield
      }) : () -> ()
    }
    %scan3A_15 = arith.constant 79 : i32
    %barrier3A = arith.constant 0 : index
    tpu.barrier barrier_id(%barrier3A)
    %scan3A_16 = arith.constant 0 : i32
    %scan3A_17 = arith.constant 5 : i32
    %scan3A_18 = arith.addi %scan3A_16, %scan3A_17 : i32
    %scan3A_19 = arith.constant 1 : i32
    scf.for %scan3A_22 = %scan3A_16 to %scan3A_18 step %scan3A_19  : i32 {
      "tpu.region"() ({
        %run_scoped3A = tpu.sem_alloc : memref<!tpu.dma_semaphore, #tpu.memory_space<semaphore_mem>>
        %dma_start3A = arith.constant 0 : i32
        %dma_start3A_28 = arith.constant 0 : i32
        %dma_start3A_29 = tpu.memref_slice %arg2[%arg0, %arg1, %scan3A_22, %dma_start3A, %dma_start3A_28] : memref<2x16x5x32x128xi32, #tpu.memory_space<hbm>> -> memref<1x1x1x32x128xi32, #tpu.memory_space<hbm>>
        %dma_start3A_30 = tpu.memref_squeeze %dma_start3A_29 : memref<1x1x1x32x128xi32, #tpu.memory_space<hbm>> -> memref<32x128xi32, #tpu.memory_space<hbm>>
        %dma_start3A_31 = arith.constant 0 : i32
        %dma_start3A_32 = arith.constant 0 : i32
        %dma_start3A_33 = tpu.memref_slice %arg2[%arg0, %arg1, %scan3A_22, %dma_start3A_31, %dma_start3A_32] : memref<2x16x5x32x128xi32, #tpu.memory_space<hbm>> -> memref<1x1x1x32x128xi32, #tpu.memory_space<hbm>>
        %dma_start3A_34 = tpu.memref_squeeze %dma_start3A_33 : memref<1x1x1x32x128xi32, #tpu.memory_space<hbm>> -> memref<32x128xi32, #tpu.memory_space<hbm>>
        tpu.enqueue_dma source(%dma_start3A_34 : memref<32x128xi32, #tpu.memory_space<hbm>>) target(%arg5 : memref<32x128xi32, #tpu.memory_space<vmem>>) target_semaphore(%run_scoped3A : memref<!tpu.dma_semaphore, #tpu.memory_space<semaphore_mem>>)
        %dma_wait3A = arith.constant 0 : i32
        %dma_wait3A_35 = arith.constant 0 : i32
        %dma_wait3A_36 = tpu.memref_slice %arg2[%arg0, %arg1, %scan3A_22, %dma_wait3A, %dma_wait3A_35] : memref<2x16x5x32x128xi32, #tpu.memory_space<hbm>> -> memref<1x1x1x32x128xi32, #tpu.memory_space<hbm>>
        %dma_wait3A_37 = tpu.memref_squeeze %dma_wait3A_36 : memref<1x1x1x32x128xi32, #tpu.memory_space<hbm>> -> memref<32x128xi32, #tpu.memory_space<hbm>>
        %dma_wait3A_38 = arith.constant 0 : i32
        %dma_wait3A_39 = arith.constant 0 : i32
        %dma_wait3A_40 = tpu.memref_slice %arg2[%arg0, %arg1, %scan3A_22, %dma_wait3A_38, %dma_wait3A_39] : memref<2x16x5x32x128xi32, #tpu.memory_space<hbm>> -> memref<1x1x1x32x128xi32, #tpu.memory_space<hbm>>
        %dma_wait3A_41 = tpu.memref_squeeze %dma_wait3A_40 : memref<1x1x1x32x128xi32, #tpu.memory_space<hbm>> -> memref<32x128xi32, #tpu.memory_space<hbm>>
        tpu.wait_dma2 semaphore(%run_scoped3A : memref<!tpu.dma_semaphore, #tpu.memory_space<semaphore_mem>>) src(%dma_wait3A_41 : memref<32x128xi32, #tpu.memory_space<hbm>>) dst(%arg5 : memref<32x128xi32, #tpu.memory_space<vmem>>)
        tpu.yield
      }) : () -> ()
      %scan3A_23 = arith.constant 0 : i32
      %scan3A_24 = arith.constant 32 : i32
      %scan3A_25 = arith.addi %scan3A_23, %scan3A_24 : i32
      %scan3A_26 = arith.constant 1 : i32
      scf.for %scan3A_28 = %scan3A_23 to %scan3A_25 step %scan3A_26  : i32 {
        "tpu.region"() ({
          %run_scoped3A = tpu.sem_alloc : memref<!tpu.dma_semaphore, #tpu.memory_space<semaphore_mem>>
          %dma_start3A = arith.constant 0 : i32
          %dma_start3A_29 = tpu.memref_slice %arg5[%scan3A_28, %dma_start3A] : memref<32x128xi32, #tpu.memory_space<vmem>> -> memref<1x128xi32, #tpu.memory_space<vmem>>
          %dma_start3A_30 = tpu.memref_squeeze %dma_start3A_29 : memref<1x128xi32, #tpu.memory_space<vmem>> -> memref<128xi32, #tpu.memory_space<vmem>>
          %dma_start3A_31 = arith.constant 0 : i32
          %dma_start3A_32 = arith.constant 0 : i32
          %dma_start3A_33 = tpu.memref_slice %arg4[%dma_start3A_31, %dma_start3A_32] : memref<10016x128xf32, #tpu.memory_space<vmem_shared>> -> memref<10016x128xf32, #tpu.memory_space<vmem_shared>>
          tpu.enqueue_indirect_dma source(%arg6 : memref<128x128xf32, #tpu.memory_space<vmem>>) target(%dma_start3A_33 : memref<10016x128xf32, #tpu.memory_space<vmem_shared>>) offsets(%dma_start3A_30 : memref<128xi32, #tpu.memory_space<vmem>>) semaphore(%run_scoped3A : memref<!tpu.dma_semaphore, #tpu.memory_space<semaphore_mem>>) {add = true}
          %dma_wait3A = arith.constant 0 : i32
          %dma_wait3A_34 = tpu.memref_slice %arg5[%scan3A_28, %dma_wait3A] : memref<32x128xi32, #tpu.memory_space<vmem>> -> memref<1x128xi32, #tpu.memory_space<vmem>>
          %dma_wait3A_35 = tpu.memref_squeeze %dma_wait3A_34 : memref<1x128xi32, #tpu.memory_space<vmem>> -> memref<128xi32, #tpu.memory_space<vmem>>
          %dma_wait3A_36 = arith.constant 0 : i32
          %dma_wait3A_37 = arith.constant 0 : i32
          %dma_wait3A_38 = tpu.memref_slice %arg4[%dma_wait3A_36, %dma_wait3A_37] : memref<10016x128xf32, #tpu.memory_space<vmem_shared>> -> memref<10016x128xf32, #tpu.memory_space<vmem_shared>>
          tpu.wait_indirect_dma semaphore(%run_scoped3A : memref<!tpu.dma_semaphore, #tpu.memory_space<semaphore_mem>>) src(%arg6 : memref<128x128xf32, #tpu.memory_space<vmem>>) dst(%dma_wait3A_38 : memref<10016x128xf32, #tpu.memory_space<vmem_shared>>)
          tpu.yield
        }) : () -> ()
      }
      %scan3A_27 = arith.constant 32 : i32
    }
    %scan3A_20 = arith.constant 5 : i32
    %barrier3A_21 = arith.constant 0 : index
    tpu.barrier barrier_id(%barrier3A_21)
    "tpu.region"() ({
      %run_scoped3A = tpu.sem_alloc : memref<!tpu.dma_semaphore, #tpu.memory_space<semaphore_mem>>
      %dma_start3A = arith.constant 0 : i32
      %dma_start3A_22 = tpu.memref_slice %arg3[%arg0, %min3A_1, %dma_start3A] : memref<2x10000x128xf32, #tpu.memory_space<hbm>> -> memref<1x632x128xf32, #tpu.memory_space<hbm>>
      %dma_start3A_23 = tpu.memref_squeeze %dma_start3A_22 : memref<1x632x128xf32, #tpu.memory_space<hbm>> -> memref<632x128xf32, #tpu.memory_space<hbm>>
      %dma_start3A_24 = arith.constant 0 : i32
      %dma_start3A_25 = tpu.memref_slice %arg4[%min3A_1, %dma_start3A_24] : memref<10016x128xf32, #tpu.memory_space<vmem_shared>> -> memref<632x128xf32, #tpu.memory_space<vmem_shared>>
      tpu.enqueue_dma source(%dma_start3A_25 : memref<632x128xf32, #tpu.memory_space<vmem_shared>>) target(%dma_start3A_23 : memref<632x128xf32, #tpu.memory_space<hbm>>) target_semaphore(%run_scoped3A : memref<!tpu.dma_semaphore, #tpu.memory_space<semaphore_mem>>)
      %dma_wait3A = arith.constant 0 : i32
      %dma_wait3A_26 = tpu.memref_slice %arg3[%arg0, %min3A_1, %dma_wait3A] : memref<2x10000x128xf32, #tpu.memory_space<hbm>> -> memref<1x632x128xf32, #tpu.memory_space<hbm>>
      %dma_wait3A_27 = tpu.memref_squeeze %dma_wait3A_26 : memref<1x632x128xf32, #tpu.memory_space<hbm>> -> memref<632x128xf32, #tpu.memory_space<hbm>>
      %dma_wait3A_28 = arith.constant 0 : i32
      %dma_wait3A_29 = tpu.memref_slice %arg4[%min3A_1, %dma_wait3A_28] : memref<10016x128xf32, #tpu.memory_space<vmem_shared>> -> memref<632x128xf32, #tpu.memory_space<vmem_shared>>
      tpu.wait_dma2 semaphore(%run_scoped3A : memref<!tpu.dma_semaphore, #tpu.memory_space<semaphore_mem>>) src(%dma_wait3A_29 : memref<632x128xf32, #tpu.memory_space<vmem_shared>>) dst(%dma_wait3A_27 : memref<632x128xf32, #tpu.memory_space<hbm>>)
      tpu.yield
    }) : () -> ()
    return
  }
}

#map = affine_map<(d0, d1) -> (0, 0)>
#map1 = affine_map<(d0, d1) -> (0, 0, 0, 0, 0)>
#map2 = affine_map<(d0, d1) -> (0, 0, 0)>
module attributes {stable_mosaic.version = 14 : i64} {
  func.func @_sc_edge_pass(%arg0: i32, %arg1: i32, %arg2: memref<20000x128xf32, #tpu.memory_space<hbm>>, %arg3: memref<2x16x5x32x128xi32, #tpu.memory_space<hbm>>, %arg4: memref<2x16x5x32x128xi32, #tpu.memory_space<hbm>>, %arg5: memref<2x10000x128xf32, #tpu.memory_space<hbm>>, %arg6: memref<10016x128xf32, #tpu.memory_space<vmem_shared>>, %arg7: memref<32x128xi32, #tpu.memory_space<vmem>>, %arg8: memref<32x128xi32, #tpu.memory_space<vmem>>, %arg9: memref<128x128xf32, #tpu.memory_space<vmem>>, %arg10: memref<128x128xf32, #tpu.memory_space<vmem>>, %arg11: memref<8x128xf32, #tpu.memory_space<vmem>>, %arg12: memref<!tpu.dma_semaphore, #tpu.memory_space<semaphore_mem>>, %arg13: memref<!tpu.dma_semaphore, #tpu.memory_space<semaphore_mem>>) attributes {dimension_semantics = [#tpu.dimension_semantics<core_parallel>, #tpu.dimension_semantics<subcore_parallel>], iteration_bounds = array<i64: 2, 16>, scalar_prefetch = 0 : i64, scratch_operands = 8 : i64, tpu.core_type = #tpu.core_type<sc_vector_subcore>, window_params = [{transform_indices = #map}, {transform_indices = #map1}, {transform_indices = #map1}, {transform_indices = #map2}]} {
    %mul3A = arith.constant 632 : i32
    %mul3A_0 = arith.muli %arg1, %mul3A : i32
    %min3A = arith.constant 9368 : i32
    %min3A_1 = arith.minsi %mul3A_0, %min3A : i32
    %scan3A = arith.constant 0 : i32
    %scan3A_2 = arith.constant 8 : i32
    %scan3A_3 = arith.addi %scan3A, %scan3A_2 : i32
    %scan3A_4 = arith.constant 1 : i32
    scf.for %scan3A_17 = %scan3A to %scan3A_3 step %scan3A_4  : i32 {
      %scan3A_18 = arith.constant 0 : i32
      %scan3A_19 = arith.constant 8 : i32
      %scan3A_20 = arith.addi %scan3A_18, %scan3A_19 : i32
      %scan3A_21 = arith.constant 1 : i32
      scf.for %scan3A_23 = %scan3A_18 to %scan3A_20 step %scan3A_21  : i32 {
        %broadcast_in_dim3A = arith.constant 0.000000e+00 : f32
        %broadcast_in_dim3A_24 = vector.broadcast %broadcast_in_dim3A : f32 to vector<16xf32>
        %mul3A_25 = arith.constant 16 : i32
        %mul3A_26 = arith.muli %scan3A_23, %mul3A_25 : i32
        %swap3A = arith.index_cast %scan3A_17 : i32 to index
        %swap3A_27 = arith.index_cast %mul3A_26 : i32 to index
        %swap3A_28 = tpu.vector_load %arg11[%swap3A, %swap3A_27] {strides = array<i32>} : memref<8x128xf32, #tpu.memory_space<vmem>>, vector<1x16xf32>,
        %swap3A_29 = vector.shape_cast %swap3A_28 : vector<1x16xf32> to vector<16xf32>
        %swap3A_30 = vector.shape_cast %broadcast_in_dim3A_24 : vector<16xf32> to vector<1x16xf32>
        tpu.vector_store %arg11[%swap3A, %swap3A_27], %swap3A_30 {strides = array<i32>} : memref<8x128xf32, #tpu.memory_space<vmem>>, vector<1x16xf32>,
      }
      %scan3A_22 = arith.constant 8 : i32
    }
    %scan3A_5 = arith.constant 8 : i32
    %scan3A_6 = arith.constant 0 : i32
    %scan3A_7 = arith.constant 79 : i32
    %scan3A_8 = arith.addi %scan3A_6, %scan3A_7 : i32
    %scan3A_9 = arith.constant 1 : i32
    scf.for %scan3A_17 = %scan3A_6 to %scan3A_8 step %scan3A_9  : i32 {
      %mul3A_18 = arith.constant 8 : i32
      %mul3A_19 = arith.muli %scan3A_17, %mul3A_18 : i32
      %add3A = arith.addi %min3A_1, %mul3A_19 : i32
      "tpu.region"() ({
        %run_scoped3A = tpu.sem_alloc : memref<!tpu.dma_semaphore, #tpu.memory_space<semaphore_mem>>
        %dma_start3A = arith.constant 0 : i32
        %dma_start3A_20 = tpu.memref_slice %arg6[%add3A, %dma_start3A] : memref<10016x128xf32, #tpu.memory_space<vmem_shared>> -> memref<8x128xf32, #tpu.memory_space<vmem_shared>>
        %dma_start3A_21 = arith.constant 0 : i32
        %dma_start3A_22 = tpu.memref_slice %arg6[%add3A, %dma_start3A_21] : memref<10016x128xf32, #tpu.memory_space<vmem_shared>> -> memref<8x128xf32, #tpu.memory_space<vmem_shared>>
        tpu.enqueue_dma source(%arg11 : memref<8x128xf32, #tpu.memory_space<vmem>>) target(%dma_start3A_22 : memref<8x128xf32, #tpu.memory_space<vmem_shared>>) target_semaphore(%run_scoped3A : memref<!tpu.dma_semaphore, #tpu.memory_space<semaphore_mem>>)
        %dma_wait3A = arith.constant 0 : i32
        %dma_wait3A_23 = tpu.memref_slice %arg6[%add3A, %dma_wait3A] : memref<10016x128xf32, #tpu.memory_space<vmem_shared>> -> memref<8x128xf32, #tpu.memory_space<vmem_shared>>
        %dma_wait3A_24 = arith.constant 0 : i32
        %dma_wait3A_25 = tpu.memref_slice %arg6[%add3A, %dma_wait3A_24] : memref<10016x128xf32, #tpu.memory_space<vmem_shared>> -> memref<8x128xf32, #tpu.memory_space<vmem_shared>>
        tpu.wait_dma2 semaphore(%run_scoped3A : memref<!tpu.dma_semaphore, #tpu.memory_space<semaphore_mem>>) src(%arg11 : memref<8x128xf32, #tpu.memory_space<vmem>>) dst(%dma_wait3A_25 : memref<8x128xf32, #tpu.memory_space<vmem_shared>>)
        tpu.yield
      }) : () -> ()
    }
    %scan3A_10 = arith.constant 79 : i32
    %barrier3A = arith.constant 0 : index
    tpu.barrier barrier_id(%barrier3A)
    %scan3A_11 = arith.constant 0 : i32
    %scan3A_12 = arith.constant 5 : i32
    %scan3A_13 = arith.addi %scan3A_11, %scan3A_12 : i32
    %scan3A_14 = arith.constant 1 : i32
    scf.for %scan3A_17 = %scan3A_11 to %scan3A_13 step %scan3A_14  : i32 {
      "tpu.region"() ({
        %run_scoped3A = tpu.sem_alloc : memref<!tpu.dma_semaphore, #tpu.memory_space<semaphore_mem>>
        %dma_start3A_35 = arith.constant 0 : i32
        %dma_start3A_36 = arith.constant 0 : i32
        %dma_start3A_37 = tpu.memref_slice %arg3[%arg0, %arg1, %scan3A_17, %dma_start3A_35, %dma_start3A_36] : memref<2x16x5x32x128xi32, #tpu.memory_space<hbm>> -> memref<1x1x1x32x128xi32, #tpu.memory_space<hbm>>
        %dma_start3A_38 = tpu.memref_squeeze %dma_start3A_37 : memref<1x1x1x32x128xi32, #tpu.memory_space<hbm>> -> memref<32x128xi32, #tpu.memory_space<hbm>>
        %dma_start3A_39 = arith.constant 0 : i32
        %dma_start3A_40 = arith.constant 0 : i32
        %dma_start3A_41 = tpu.memref_slice %arg3[%arg0, %arg1, %scan3A_17, %dma_start3A_39, %dma_start3A_40] : memref<2x16x5x32x128xi32, #tpu.memory_space<hbm>> -> memref<1x1x1x32x128xi32, #tpu.memory_space<hbm>>
        %dma_start3A_42 = tpu.memref_squeeze %dma_start3A_41 : memref<1x1x1x32x128xi32, #tpu.memory_space<hbm>> -> memref<32x128xi32, #tpu.memory_space<hbm>>
        tpu.enqueue_dma source(%dma_start3A_42 : memref<32x128xi32, #tpu.memory_space<hbm>>) target(%arg7 : memref<32x128xi32, #tpu.memory_space<vmem>>) target_semaphore(%run_scoped3A : memref<!tpu.dma_semaphore, #tpu.memory_space<semaphore_mem>>)
        %dma_wait3A_43 = arith.constant 0 : i32
        %dma_wait3A_44 = arith.constant 0 : i32
        %dma_wait3A_45 = tpu.memref_slice %arg3[%arg0, %arg1, %scan3A_17, %dma_wait3A_43, %dma_wait3A_44] : memref<2x16x5x32x128xi32, #tpu.memory_space<hbm>> -> memref<1x1x1x32x128xi32, #tpu.memory_space<hbm>>
        %dma_wait3A_46 = tpu.memref_squeeze %dma_wait3A_45 : memref<1x1x1x32x128xi32, #tpu.memory_space<hbm>> -> memref<32x128xi32, #tpu.memory_space<hbm>>
        %dma_wait3A_47 = arith.constant 0 : i32
        %dma_wait3A_48 = arith.constant 0 : i32
        %dma_wait3A_49 = tpu.memref_slice %arg3[%arg0, %arg1, %scan3A_17, %dma_wait3A_47, %dma_wait3A_48] : memref<2x16x5x32x128xi32, #tpu.memory_space<hbm>> -> memref<1x1x1x32x128xi32, #tpu.memory_space<hbm>>
        %dma_wait3A_50 = tpu.memref_squeeze %dma_wait3A_49 : memref<1x1x1x32x128xi32, #tpu.memory_space<hbm>> -> memref<32x128xi32, #tpu.memory_space<hbm>>
        tpu.wait_dma2 semaphore(%run_scoped3A : memref<!tpu.dma_semaphore, #tpu.memory_space<semaphore_mem>>) src(%dma_wait3A_50 : memref<32x128xi32, #tpu.memory_space<hbm>>) dst(%arg7 : memref<32x128xi32, #tpu.memory_space<vmem>>)
        tpu.yield
      }) : () -> ()
      "tpu.region"() ({
        %run_scoped3A = tpu.sem_alloc : memref<!tpu.dma_semaphore, #tpu.memory_space<semaphore_mem>>
        %dma_start3A_35 = arith.constant 0 : i32
        %dma_start3A_36 = arith.constant 0 : i32
        %dma_start3A_37 = tpu.memref_slice %arg4[%arg0, %arg1, %scan3A_17, %dma_start3A_35, %dma_start3A_36] : memref<2x16x5x32x128xi32, #tpu.memory_space<hbm>> -> memref<1x1x1x32x128xi32, #tpu.memory_space<hbm>>
        %dma_start3A_38 = tpu.memref_squeeze %dma_start3A_37 : memref<1x1x1x32x128xi32, #tpu.memory_space<hbm>> -> memref<32x128xi32, #tpu.memory_space<hbm>>
        %dma_start3A_39 = arith.constant 0 : i32
        %dma_start3A_40 = arith.constant 0 : i32
        %dma_start3A_41 = tpu.memref_slice %arg4[%arg0, %arg1, %scan3A_17, %dma_start3A_39, %dma_start3A_40] : memref<2x16x5x32x128xi32, #tpu.memory_space<hbm>> -> memref<1x1x1x32x128xi32, #tpu.memory_space<hbm>>
        %dma_start3A_42 = tpu.memref_squeeze %dma_start3A_41 : memref<1x1x1x32x128xi32, #tpu.memory_space<hbm>> -> memref<32x128xi32, #tpu.memory_space<hbm>>
        tpu.enqueue_dma source(%dma_start3A_42 : memref<32x128xi32, #tpu.memory_space<hbm>>) target(%arg8 : memref<32x128xi32, #tpu.memory_space<vmem>>) target_semaphore(%run_scoped3A : memref<!tpu.dma_semaphore, #tpu.memory_space<semaphore_mem>>)
        %dma_wait3A_43 = arith.constant 0 : i32
        %dma_wait3A_44 = arith.constant 0 : i32
        %dma_wait3A_45 = tpu.memref_slice %arg4[%arg0, %arg1, %scan3A_17, %dma_wait3A_43, %dma_wait3A_44] : memref<2x16x5x32x128xi32, #tpu.memory_space<hbm>> -> memref<1x1x1x32x128xi32, #tpu.memory_space<hbm>>
        %dma_wait3A_46 = tpu.memref_squeeze %dma_wait3A_45 : memref<1x1x1x32x128xi32, #tpu.memory_space<hbm>> -> memref<32x128xi32, #tpu.memory_space<hbm>>
        %dma_wait3A_47 = arith.constant 0 : i32
        %dma_wait3A_48 = arith.constant 0 : i32
        %dma_wait3A_49 = tpu.memref_slice %arg4[%arg0, %arg1, %scan3A_17, %dma_wait3A_47, %dma_wait3A_48] : memref<2x16x5x32x128xi32, #tpu.memory_space<hbm>> -> memref<1x1x1x32x128xi32, #tpu.memory_space<hbm>>
        %dma_wait3A_50 = tpu.memref_squeeze %dma_wait3A_49 : memref<1x1x1x32x128xi32, #tpu.memory_space<hbm>> -> memref<32x128xi32, #tpu.memory_space<hbm>>
        tpu.wait_dma2 semaphore(%run_scoped3A : memref<!tpu.dma_semaphore, #tpu.memory_space<semaphore_mem>>) src(%dma_wait3A_50 : memref<32x128xi32, #tpu.memory_space<hbm>>) dst(%arg8 : memref<32x128xi32, #tpu.memory_space<vmem>>)
        tpu.yield
      }) : () -> ()
      %dma_start3A = arith.constant 0 : i32
      %dma_start3A_18 = arith.constant 0 : i32
      %dma_start3A_19 = tpu.memref_slice %arg7[%dma_start3A, %dma_start3A_18] : memref<32x128xi32, #tpu.memory_space<vmem>> -> memref<1x128xi32, #tpu.memory_space<vmem>>
      %dma_start3A_20 = tpu.memref_squeeze %dma_start3A_19 : memref<1x128xi32, #tpu.memory_space<vmem>> -> memref<128xi32, #tpu.memory_space<vmem>>
      %dma_start3A_21 = arith.constant 0 : i32
      %dma_start3A_22 = arith.constant 0 : i32
      %dma_start3A_23 = tpu.memref_slice %arg2[%dma_start3A_21, %dma_start3A_22] : memref<20000x128xf32, #tpu.memory_space<hbm>> -> memref<20000x128xf32, #tpu.memory_space<hbm>>
      tpu.enqueue_indirect_dma source(%dma_start3A_23 : memref<20000x128xf32, #tpu.memory_space<hbm>>) target(%arg9 : memref<128x128xf32, #tpu.memory_space<vmem>>) offsets(%dma_start3A_20 : memref<128xi32, #tpu.memory_space<vmem>>) semaphore(%arg12 : memref<!tpu.dma_semaphore, #tpu.memory_space<semaphore_mem>>)
      %scan3A_24 = arith.constant 0 : i32
      %scan3A_25 = arith.constant 16 : i32
      %scan3A_26 = arith.addi %scan3A_24, %scan3A_25 : i32
      %scan3A_27 = arith.constant 1 : i32
      scf.for %scan3A_35 = %scan3A_24 to %scan3A_26 step %scan3A_27  : i32 {
        %mul3A_36 = arith.constant 2 : i32
        %mul3A_37 = arith.muli %mul3A_36, %scan3A_35 : i32
        %add3A = arith.constant 1 : i32
        %add3A_38 = arith.addi %mul3A_37, %add3A : i32
        %dma_start3A_39 = arith.constant 0 : i32
        %dma_start3A_40 = tpu.memref_slice %arg7[%add3A_38, %dma_start3A_39] : memref<32x128xi32, #tpu.memory_space<vmem>> -> memref<1x128xi32, #tpu.memory_space<vmem>>
        %dma_start3A_41 = tpu.memref_squeeze %dma_start3A_40 : memref<1x128xi32, #tpu.memory_space<vmem>> -> memref<128xi32, #tpu.memory_space<vmem>>
        %dma_start3A_42 = arith.constant 0 : i32
        %dma_start3A_43 = arith.constant 0 : i32
        %dma_start3A_44 = tpu.memref_slice %arg2[%dma_start3A_42, %dma_start3A_43] : memref<20000x128xf32, #tpu.memory_space<hbm>> -> memref<20000x128xf32, #tpu.memory_space<hbm>>
        tpu.enqueue_indirect_dma source(%dma_start3A_44 : memref<20000x128xf32, #tpu.memory_space<hbm>>) target(%arg10 : memref<128x128xf32, #tpu.memory_space<vmem>>) offsets(%dma_start3A_41 : memref<128xi32, #tpu.memory_space<vmem>>) semaphore(%arg13 : memref<!tpu.dma_semaphore, #tpu.memory_space<semaphore_mem>>)
        %dma_wait3A_45 = arith.constant 0 : i32
        %dma_wait3A_46 = tpu.memref_slice %arg7[%mul3A_37, %dma_wait3A_45] : memref<32x128xi32, #tpu.memory_space<vmem>> -> memref<1x128xi32, #tpu.memory_space<vmem>>
        %dma_wait3A_47 = tpu.memref_squeeze %dma_wait3A_46 : memref<1x128xi32, #tpu.memory_space<vmem>> -> memref<128xi32, #tpu.memory_space<vmem>>
        %dma_wait3A_48 = arith.constant 0 : i32
        %dma_wait3A_49 = arith.constant 0 : i32
        %dma_wait3A_50 = tpu.memref_slice %arg2[%dma_wait3A_48, %dma_wait3A_49] : memref<20000x128xf32, #tpu.memory_space<hbm>> -> memref<20000x128xf32, #tpu.memory_space<hbm>>
        tpu.wait_indirect_dma semaphore(%arg12 : memref<!tpu.dma_semaphore, #tpu.memory_space<semaphore_mem>>) src(%dma_wait3A_50 : memref<20000x128xf32, #tpu.memory_space<hbm>>) dst(%arg9 : memref<128x128xf32, #tpu.memory_space<vmem>>)
        "tpu.region"() ({
          %run_scoped3A = tpu.sem_alloc : memref<!tpu.dma_semaphore, #tpu.memory_space<semaphore_mem>>
          %dma_start3A_71 = arith.constant 0 : i32
          %dma_start3A_72 = tpu.memref_slice %arg8[%mul3A_37, %dma_start3A_71] : memref<32x128xi32, #tpu.memory_space<vmem>> -> memref<1x128xi32, #tpu.memory_space<vmem>>
          %dma_start3A_73 = tpu.memref_squeeze %dma_start3A_72 : memref<1x128xi32, #tpu.memory_space<vmem>> -> memref<128xi32, #tpu.memory_space<vmem>>
          %dma_start3A_74 = arith.constant 0 : i32
          %dma_start3A_75 = arith.constant 0 : i32
          %dma_start3A_76 = tpu.memref_slice %arg6[%dma_start3A_74, %dma_start3A_75] : memref<10016x128xf32, #tpu.memory_space<vmem_shared>> -> memref<10016x128xf32, #tpu.memory_space<vmem_shared>>
          tpu.enqueue_indirect_dma source(%arg9 : memref<128x128xf32, #tpu.memory_space<vmem>>) target(%dma_start3A_76 : memref<10016x128xf32, #tpu.memory_space<vmem_shared>>) offsets(%dma_start3A_73 : memref<128xi32, #tpu.memory_space<vmem>>) semaphore(%run_scoped3A : memref<!tpu.dma_semaphore, #tpu.memory_space<semaphore_mem>>) {add = true}
          %dma_wait3A_77 = arith.constant 0 : i32
          %dma_wait3A_78 = tpu.memref_slice %arg8[%mul3A_37, %dma_wait3A_77] : memref<32x128xi32, #tpu.memory_space<vmem>> -> memref<1x128xi32, #tpu.memory_space<vmem>>
          %dma_wait3A_79 = tpu.memref_squeeze %dma_wait3A_78 : memref<1x128xi32, #tpu.memory_space<vmem>> -> memref<128xi32, #tpu.memory_space<vmem>>
          %dma_wait3A_80 = arith.constant 0 : i32
          %dma_wait3A_81 = arith.constant 0 : i32
          %dma_wait3A_82 = tpu.memref_slice %arg6[%dma_wait3A_80, %dma_wait3A_81] : memref<10016x128xf32, #tpu.memory_space<vmem_shared>> -> memref<10016x128xf32, #tpu.memory_space<vmem_shared>>
          tpu.wait_indirect_dma semaphore(%run_scoped3A : memref<!tpu.dma_semaphore, #tpu.memory_space<semaphore_mem>>) src(%arg9 : memref<128x128xf32, #tpu.memory_space<vmem>>) dst(%dma_wait3A_82 : memref<10016x128xf32, #tpu.memory_space<vmem_shared>>)
          tpu.yield
        }) : () -> ()
        %add3A_51 = arith.constant 2 : i32
        %add3A_52 = arith.addi %mul3A_37, %add3A_51 : i32
        %min3A_53 = arith.constant 31 : i32
        %min3A_54 = arith.minsi %add3A_52, %min3A_53 : i32
        %dma_start3A_55 = arith.constant 0 : i32
        %dma_start3A_56 = tpu.memref_slice %arg7[%min3A_54, %dma_start3A_55] : memref<32x128xi32, #tpu.memory_space<vmem>> -> memref<1x128xi32, #tpu.memory_space<vmem>>
        %dma_start3A_57 = tpu.memref_squeeze %dma_start3A_56 : memref<1x128xi32, #tpu.memory_space<vmem>> -> memref<128xi32, #tpu.memory_space<vmem>>
        %dma_start3A_58 = arith.constant 0 : i32
        %dma_start3A_59 = arith.constant 0 : i32
        %dma_start3A_60 = tpu.memref_slice %arg2[%dma_start3A_58, %dma_start3A_59] : memref<20000x128xf32, #tpu.memory_space<hbm>> -> memref<20000x128xf32, #tpu.memory_space<hbm>>
        tpu.enqueue_indirect_dma source(%dma_start3A_60 : memref<20000x128xf32, #tpu.memory_space<hbm>>) target(%arg9 : memref<128x128xf32, #tpu.memory_space<vmem>>) offsets(%dma_start3A_57 : memref<128xi32, #tpu.memory_space<vmem>>) semaphore(%arg12 : memref<!tpu.dma_semaphore, #tpu.memory_space<semaphore_mem>>)
        %add3A_61 = arith.constant 1 : i32
        %add3A_62 = arith.addi %mul3A_37, %add3A_61 : i32
        %dma_wait3A_63 = arith.constant 0 : i32
        %dma_wait3A_64 = tpu.memref_slice %arg7[%add3A_62, %dma_wait3A_63] : memref<32x128xi32, #tpu.memory_space<vmem>> -> memref<1x128xi32, #tpu.memory_space<vmem>>
        %dma_wait3A_65 = tpu.memref_squeeze %dma_wait3A_64 : memref<1x128xi32, #tpu.memory_space<vmem>> -> memref<128xi32, #tpu.memory_space<vmem>>
        %dma_wait3A_66 = arith.constant 0 : i32
        %dma_wait3A_67 = arith.constant 0 : i32
        %dma_wait3A_68 = tpu.memref_slice %arg2[%dma_wait3A_66, %dma_wait3A_67] : memref<20000x128xf32, #tpu.memory_space<hbm>> -> memref<20000x128xf32, #tpu.memory_space<hbm>>
        tpu.wait_indirect_dma semaphore(%arg13 : memref<!tpu.dma_semaphore, #tpu.memory_space<semaphore_mem>>) src(%dma_wait3A_68 : memref<20000x128xf32, #tpu.memory_space<hbm>>) dst(%arg10 : memref<128x128xf32, #tpu.memory_space<vmem>>)
        %add3A_69 = arith.constant 1 : i32
        %add3A_70 = arith.addi %mul3A_37, %add3A_69 : i32
        "tpu.region"() ({
          %run_scoped3A = tpu.sem_alloc : memref<!tpu.dma_semaphore, #tpu.memory_space<semaphore_mem>>
          %dma_start3A_71 = arith.constant 0 : i32
          %dma_start3A_72 = tpu.memref_slice %arg8[%add3A_70, %dma_start3A_71] : memref<32x128xi32, #tpu.memory_space<vmem>> -> memref<1x128xi32, #tpu.memory_space<vmem>>
          %dma_start3A_73 = tpu.memref_squeeze %dma_start3A_72 : memref<1x128xi32, #tpu.memory_space<vmem>> -> memref<128xi32, #tpu.memory_space<vmem>>
          %dma_start3A_74 = arith.constant 0 : i32
          %dma_start3A_75 = arith.constant 0 : i32
          %dma_start3A_76 = tpu.memref_slice %arg6[%dma_start3A_74, %dma_start3A_75] : memref<10016x128xf32, #tpu.memory_space<vmem_shared>> -> memref<10016x128xf32, #tpu.memory_space<vmem_shared>>
          tpu.enqueue_indirect_dma source(%arg10 : memref<128x128xf32, #tpu.memory_space<vmem>>) target(%dma_start3A_76 : memref<10016x128xf32, #tpu.memory_space<vmem_shared>>) offsets(%dma_start3A_73 : memref<128xi32, #tpu.memory_space<vmem>>) semaphore(%run_scoped3A : memref<!tpu.dma_semaphore, #tpu.memory_space<semaphore_mem>>) {add = true}
          %dma_wait3A_77 = arith.constant 0 : i32
          %dma_wait3A_78 = tpu.memref_slice %arg8[%add3A_70, %dma_wait3A_77] : memref<32x128xi32, #tpu.memory_space<vmem>> -> memref<1x128xi32, #tpu.memory_space<vmem>>
          %dma_wait3A_79 = tpu.memref_squeeze %dma_wait3A_78 : memref<1x128xi32, #tpu.memory_space<vmem>> -> memref<128xi32, #tpu.memory_space<vmem>>
          %dma_wait3A_80 = arith.constant 0 : i32
          %dma_wait3A_81 = arith.constant 0 : i32
          %dma_wait3A_82 = tpu.memref_slice %arg6[%dma_wait3A_80, %dma_wait3A_81] : memref<10016x128xf32, #tpu.memory_space<vmem_shared>> -> memref<10016x128xf32, #tpu.memory_space<vmem_shared>>
          tpu.wait_indirect_dma semaphore(%run_scoped3A : memref<!tpu.dma_semaphore, #tpu.memory_space<semaphore_mem>>) src(%arg10 : memref<128x128xf32, #tpu.memory_space<vmem>>) dst(%dma_wait3A_82 : memref<10016x128xf32, #tpu.memory_space<vmem_shared>>)
          tpu.yield
        }) : () -> ()
      }
      %scan3A_28 = arith.constant 16 : i32
      %dma_wait3A = arith.constant 31 : i32
      %dma_wait3A_29 = arith.constant 0 : i32
      %dma_wait3A_30 = tpu.memref_slice %arg7[%dma_wait3A, %dma_wait3A_29] : memref<32x128xi32, #tpu.memory_space<vmem>> -> memref<1x128xi32, #tpu.memory_space<vmem>>
      %dma_wait3A_31 = tpu.memref_squeeze %dma_wait3A_30 : memref<1x128xi32, #tpu.memory_space<vmem>> -> memref<128xi32, #tpu.memory_space<vmem>>
      %dma_wait3A_32 = arith.constant 0 : i32
      %dma_wait3A_33 = arith.constant 0 : i32
      %dma_wait3A_34 = tpu.memref_slice %arg2[%dma_wait3A_32, %dma_wait3A_33] : memref<20000x128xf32, #tpu.memory_space<hbm>> -> memref<20000x128xf32, #tpu.memory_space<hbm>>
      tpu.wait_indirect_dma semaphore(%arg12 : memref<!tpu.dma_semaphore, #tpu.memory_space<semaphore_mem>>) src(%dma_wait3A_34 : memref<20000x128xf32, #tpu.memory_space<hbm>>) dst(%arg9 : memref<128x128xf32, #tpu.memory_space<vmem>>)
    }
    %scan3A_15 = arith.constant 5 : i32
    %barrier3A_16 = arith.constant 0 : index
    tpu.barrier barrier_id(%barrier3A_16)
    "tpu.region"() ({
      %run_scoped3A = tpu.sem_alloc : memref<!tpu.dma_semaphore, #tpu.memory_space<semaphore_mem>>
      %dma_start3A = arith.constant 0 : i32
      %dma_start3A_17 = tpu.memref_slice %arg5[%arg0, %min3A_1, %dma_start3A] : memref<2x10000x128xf32, #tpu.memory_space<hbm>> -> memref<1x632x128xf32, #tpu.memory_space<hbm>>
      %dma_start3A_18 = tpu.memref_squeeze %dma_start3A_17 : memref<1x632x128xf32, #tpu.memory_space<hbm>> -> memref<632x128xf32, #tpu.memory_space<hbm>>
      %dma_start3A_19 = arith.constant 0 : i32
      %dma_start3A_20 = tpu.memref_slice %arg6[%min3A_1, %dma_start3A_19] : memref<10016x128xf32, #tpu.memory_space<vmem_shared>> -> memref<632x128xf32, #tpu.memory_space<vmem_shared>>
      tpu.enqueue_dma source(%dma_start3A_20 : memref<632x128xf32, #tpu.memory_space<vmem_shared>>) target(%dma_start3A_18 : memref<632x128xf32, #tpu.memory_space<hbm>>) target_semaphore(%run_scoped3A : memref<!tpu.dma_semaphore, #tpu.memory_space<semaphore_mem>>)
      %dma_wait3A = arith.constant 0 : i32
      %dma_wait3A_21 = tpu.memref_slice %arg5[%arg0, %min3A_1, %dma_wait3A] : memref<2x10000x128xf32, #tpu.memory_space<hbm>> -> memref<1x632x128xf32, #tpu.memory_space<hbm>>
      %dma_wait3A_22 = tpu.memref_squeeze %dma_wait3A_21 : memref<1x632x128xf32, #tpu.memory_space<hbm>> -> memref<632x128xf32, #tpu.memory_space<hbm>>
      %dma_wait3A_23 = arith.constant 0 : i32
      %dma_wait3A_24 = tpu.memref_slice %arg6[%min3A_1, %dma_wait3A_23] : memref<10016x128xf32, #tpu.memory_space<vmem_shared>> -> memref<632x128xf32, #tpu.memory_space<vmem_shared>>
      tpu.wait_dma2 semaphore(%run_scoped3A : memref<!tpu.dma_semaphore, #tpu.memory_space<semaphore_mem>>) src(%dma_wait3A_24 : memref<632x128xf32, #tpu.memory_space<vmem_shared>>) dst(%dma_wait3A_22 : memref<632x128xf32, #tpu.memory_space<hbm>>)
      tpu.yield
    }) : () -> ()
    return
  }
}

module attributes {stable_mosaic.version = 14 : i64} {
  func.func @_tc_prep_body(%arg0: i32, %arg1: memref<1000x128xf32, #tpu.memory_space<vmem>>, %arg2: memref<128x128xf32, #tpu.memory_space<vmem>>, %arg3: memref<1000x128xf32, #tpu.memory_space<vmem>>, %arg4: memref<1000x128xf32, #tpu.memory_space<vmem>>) attributes {dimension_semantics = [#tpu.dimension_semantics<arbitrary>], iteration_bounds = array<i64: 20>, scalar_prefetch = 0 : i64, scratch_operands = 0 : i64, tpu.core_type = #tpu.core_type<tc>, window_params = [{transform_indices = @transform_0, window_bounds = array<i64: 1000, 128>}, {pipeline_mode = #tpu.pipeline_mode<synchronous>, transform_indices = @transform_1, window_bounds = array<i64: 128, 128>}, {transform_indices = @transform_2, window_bounds = array<i64: 1000, 128>}, {transform_indices = @transform_3, window_bounds = array<i64: 1000, 128>}]} {
    %get3A = arith.constant 0 : index
    %get3A_0 = arith.constant 0 : index
    %get3A_1 = vector.load %arg3[%get3A, %get3A_0] : memref<1000x128xf32, #tpu.memory_space<vmem>>, vector<1000x1xf32>
    %add3A = arith.constant 1.000000e+00 : f32
    %add3A_2 = vector.broadcast %add3A : f32 to vector<1000x1xf32>
    %add3A_3 = arith.addf %get3A_1, %add3A_2 : vector<1000x1xf32>
    %rsqrt3A = math.rsqrt %add3A_3 : vector<1000x1xf32>
    %get3A_4 = arith.constant 0 : index
    %get3A_5 = arith.constant 0 : index
    %get3A_6 = vector.load %arg1[%get3A_4, %get3A_5] : memref<1000x128xf32, #tpu.memory_space<vmem>>, vector<1000x128xf32>
    %get3A_7 = arith.constant 0 : index
    %get3A_8 = arith.constant 0 : index
    %get3A_9 = vector.load %arg2[%get3A_7, %get3A_8] : memref<128x128xf32, #tpu.memory_space<vmem>>, vector<128x128xf32>
    %dot_general3A = arith.constant dense<0.000000e+00> : vector<1000x128xf32>
    %dot_general3A_10 = tpu.matmul %get3A_6, %get3A_9, %dot_general3A {dimension_numbers = #tpu.dot_dimension_numbers<[1], [0], [0], [1], [0, 0, 1, 1], [], []>, transpose_lhs_hint = false} : vector<1000x128xf32>, vector<128x128xf32>, vector<1000x128xf32> -> vector<1000x128xf32>
    %mul3A = vector.broadcast %rsqrt3A : vector<1000x1xf32> to vector<1000x128xf32>
    %mul3A_11 = arith.mulf %dot_general3A_10, %mul3A : vector<1000x128xf32>
    %swap3A = arith.constant 0 : index
    %swap3A_12 = arith.constant 0 : index
    %swap3A_13 = vector.load %arg4[%swap3A, %swap3A_12] : memref<1000x128xf32, #tpu.memory_space<vmem>>, vector<1000x128xf32>
    tpu.vector_store %arg4[%swap3A, %swap3A_12], %mul3A_11 {strides = array<i32>} : memref<1000x128xf32, #tpu.memory_space<vmem>>, vector<1000x128xf32>,
    return
  }
  func.func @transform_0(%arg0: i32) -> (i32, i32) {
    %c0_i32 = arith.constant 0 : i32
    %c0_i32_0 = arith.constant 0 : i32
    return %arg0, %c0_i32 : i32, i32
  }
  func.func @transform_1(%arg0: i32) -> (i32, i32) {
    %c0_i32 = arith.constant 0 : i32
    %c0_i32_0 = arith.constant 0 : i32
    %c0_i32_1 = arith.constant 0 : i32
    return %c0_i32, %c0_i32_0 : i32, i32
  }
  func.func @transform_2(%arg0: i32) -> (i32, i32) {
    %c0_i32 = arith.constant 0 : i32
    %c0_i32_0 = arith.constant 0 : i32
    return %arg0, %c0_i32 : i32, i32
  }
  func.func @transform_3(%arg0: i32) -> (i32, i32) {
    %c0_i32 = arith.constant 0 : i32
    %c0_i32_0 = arith.constant 0 : i32
    return %arg0, %c0_i32 : i32, i32
  }
}

module attributes {stable_mosaic.version = 14 : i64} {
  func.func @_tc_mid_body(%arg0: i32, %arg1: memref<1000x128xf32, #tpu.memory_space<vmem>>, %arg2: memref<1000x128xf32, #tpu.memory_space<vmem>>, %arg3: memref<1000x128xf32, #tpu.memory_space<vmem>>, %arg4: memref<1x128xf32, #tpu.memory_space<vmem>>, %arg5: memref<128x128xf32, #tpu.memory_space<vmem>>, %arg6: memref<1000x128xf32, #tpu.memory_space<vmem>>) attributes {dimension_semantics = [#tpu.dimension_semantics<arbitrary>], iteration_bounds = array<i64: 20>, scalar_prefetch = 0 : i64, scratch_operands = 0 : i64, tpu.core_type = #tpu.core_type<tc>, window_params = [{transform_indices = @transform_0, window_bounds = array<i64: 1000, 128>}, {transform_indices = @transform_1, window_bounds = array<i64: 1000, 128>}, {transform_indices = @transform_2, window_bounds = array<i64: 1000, 128>}, {pipeline_mode = #tpu.pipeline_mode<synchronous>, transform_indices = @transform_3, window_bounds = array<i64: 1, 128>}, {pipeline_mode = #tpu.pipeline_mode<synchronous>, transform_indices = @transform_4, window_bounds = array<i64: 128, 128>}, {transform_indices = @transform_5, window_bounds = array<i64: 1000, 128>}]} {
    %get3A = arith.constant 0 : index
    %get3A_0 = arith.constant 0 : index
    %get3A_1 = vector.load %arg3[%get3A, %get3A_0] : memref<1000x128xf32, #tpu.memory_space<vmem>>, vector<1000x1xf32>
    %add3A = arith.constant 1.000000e+00 : f32
    %add3A_2 = vector.broadcast %add3A : f32 to vector<1000x1xf32>
    %add3A_3 = arith.addf %get3A_1, %add3A_2 : vector<1000x1xf32>
    %rsqrt3A = math.rsqrt %add3A_3 : vector<1000x1xf32>
    %get3A_4 = arith.constant 0 : index
    %get3A_5 = arith.constant 0 : index
    %get3A_6 = vector.load %arg1[%get3A_4, %get3A_5] : memref<1000x128xf32, #tpu.memory_space<vmem>>, vector<1000x128xf32>
    %get3A_7 = arith.constant 0 : index
    %get3A_8 = arith.constant 0 : index
    %get3A_9 = vector.load %arg2[%get3A_7, %get3A_8] : memref<1000x128xf32, #tpu.memory_space<vmem>>, vector<1000x128xf32>
    %add3A_10 = arith.addf %get3A_6, %get3A_9 : vector<1000x128xf32>
    %mul3A = vector.broadcast %rsqrt3A : vector<1000x1xf32> to vector<1000x128xf32>
    %mul3A_11 = arith.mulf %mul3A, %add3A_10 : vector<1000x128xf32>
    %get3A_12 = arith.constant 0 : index
    %get3A_13 = arith.constant 0 : index
    %get3A_14 = vector.load %arg4[%get3A_12, %get3A_13] : memref<1x128xf32, #tpu.memory_space<vmem>>, vector<1x128xf32>
    %add3A_15 = vector.broadcast %get3A_14 : vector<1x128xf32> to vector<1000x128xf32>
    %add3A_16 = arith.addf %mul3A_11, %add3A_15 : vector<1000x128xf32>
    %max3A = arith.constant 0.000000e+00 : f32
    %max3A_17 = vector.broadcast %max3A : f32 to vector<1000x128xf32>
    %max3A_18 = arith.maximumf %add3A_16, %max3A_17 : vector<1000x128xf32>
    %get3A_19 = arith.constant 0 : index
    %get3A_20 = arith.constant 0 : index
    %get3A_21 = vector.load %arg5[%get3A_19, %get3A_20] : memref<128x128xf32, #tpu.memory_space<vmem>>, vector<128x128xf32>
    %dot_general3A = arith.constant dense<0.000000e+00> : vector<1000x128xf32>
    %dot_general3A_22 = tpu.matmul %max3A_18, %get3A_21, %dot_general3A {dimension_numbers = #tpu.dot_dimension_numbers<[1], [0], [0], [1], [0, 0, 1, 1], [], []>, transpose_lhs_hint = false} : vector<1000x128xf32>, vector<128x128xf32>, vector<1000x128xf32> -> vector<1000x128xf32>
    %mul3A_23 = vector.broadcast %rsqrt3A : vector<1000x1xf32> to vector<1000x128xf32>
    %mul3A_24 = arith.mulf %dot_general3A_22, %mul3A_23 : vector<1000x128xf32>
    %swap3A = arith.constant 0 : index
    %swap3A_25 = arith.constant 0 : index
    %swap3A_26 = vector.load %arg6[%swap3A, %swap3A_25] : memref<1000x128xf32, #tpu.memory_space<vmem>>, vector<1000x128xf32>
    tpu.vector_store %arg6[%swap3A, %swap3A_25], %mul3A_24 {strides = array<i32>} : memref<1000x128xf32, #tpu.memory_space<vmem>>, vector<1000x128xf32>,
    return
  }
  func.func @transform_0(%arg0: i32) -> (i32, i32) {
    %c0_i32 = arith.constant 0 : i32
    %c0_i32_0 = arith.constant 0 : i32
    return %arg0, %c0_i32 : i32, i32
  }
  func.func @transform_1(%arg0: i32) -> (i32, i32) {
    %c0_i32 = arith.constant 0 : i32
    %c0_i32_0 = arith.constant 0 : i32
    return %arg0, %c0_i32 : i32, i32
  }
  func.func @transform_2(%arg0: i32) -> (i32, i32) {
    %c0_i32 = arith.constant 0 : i32
    %c0_i32_0 = arith.constant 0 : i32
    return %arg0, %c0_i32 : i32, i32
  }
  func.func @transform_3(%arg0: i32) -> (i32, i32) {
    %c0_i32 = arith.constant 0 : i32
    %c0_i32_0 = arith.constant 0 : i32
    %c0_i32_1 = arith.constant 0 : i32
    return %c0_i32, %c0_i32_0 : i32, i32
  }
  func.func @transform_4(%arg0: i32) -> (i32, i32) {
    %c0_i32 = arith.constant 0 : i32
    %c0_i32_0 = arith.constant 0 : i32
    %c0_i32_1 = arith.constant 0 : i32
    return %c0_i32, %c0_i32_0 : i32, i32
  }
  func.func @transform_5(%arg0: i32) -> (i32, i32) {
    %c0_i32 = arith.constant 0 : i32
    %c0_i32_0 = arith.constant 0 : i32
    return %arg0, %c0_i32 : i32, i32
  }
}

module attributes {stable_mosaic.version = 14 : i64} {
  func.func @_tc_final_body(%arg0: i32, %arg1: memref<1000x128xf32, #tpu.memory_space<vmem>>, %arg2: memref<1000x128xf32, #tpu.memory_space<vmem>>, %arg3: memref<1000x128xf32, #tpu.memory_space<vmem>>, %arg4: memref<1x128xf32, #tpu.memory_space<vmem>>, %arg5: memref<1000x128xf32, #tpu.memory_space<vmem>>, %arg6: memref<1x1x128xf32, #tpu.memory_space<vmem>>, %arg7: memref<1x1x128xf32, #tpu.memory_space<vmem>>) attributes {dimension_semantics = [#tpu.dimension_semantics<arbitrary>], iteration_bounds = array<i64: 20>, scalar_prefetch = 0 : i64, scratch_operands = 0 : i64, tpu.core_type = #tpu.core_type<tc>, window_params = [{transform_indices = @transform_0, window_bounds = array<i64: 1000, 128>}, {transform_indices = @transform_1, window_bounds = array<i64: 1000, 128>}, {transform_indices = @transform_2, window_bounds = array<i64: 1000, 128>}, {pipeline_mode = #tpu.pipeline_mode<synchronous>, transform_indices = @transform_3, window_bounds = array<i64: 1, 128>}, {transform_indices = @transform_4, window_bounds = array<i64: 1000, 128>}, {transform_indices = @transform_5, window_bounds = array<i64: 1, 1, 128>}, {transform_indices = @transform_6, window_bounds = array<i64: 1, 1, 128>}]} {
    %get3A = arith.constant 0 : index
    %get3A_0 = arith.constant 0 : index
    %get3A_1 = vector.load %arg3[%get3A, %get3A_0] : memref<1000x128xf32, #tpu.memory_space<vmem>>, vector<1000x1xf32>
    %add3A = arith.constant 1.000000e+00 : f32
    %add3A_2 = vector.broadcast %add3A : f32 to vector<1000x1xf32>
    %add3A_3 = arith.addf %get3A_1, %add3A_2 : vector<1000x1xf32>
    %rsqrt3A = math.rsqrt %add3A_3 : vector<1000x1xf32>
    %get3A_4 = arith.constant 0 : index
    %get3A_5 = arith.constant 0 : index
    %get3A_6 = vector.load %arg1[%get3A_4, %get3A_5] : memref<1000x128xf32, #tpu.memory_space<vmem>>, vector<1000x128xf32>
    %get3A_7 = arith.constant 0 : index
    %get3A_8 = arith.constant 0 : index
    %get3A_9 = vector.load %arg2[%get3A_7, %get3A_8] : memref<1000x128xf32, #tpu.memory_space<vmem>>, vector<1000x128xf32>
    %add3A_10 = arith.addf %get3A_6, %get3A_9 : vector<1000x128xf32>
    %mul3A = vector.broadcast %rsqrt3A : vector<1000x1xf32> to vector<1000x128xf32>
    %mul3A_11 = arith.mulf %mul3A, %add3A_10 : vector<1000x128xf32>
    %get3A_12 = arith.constant 0 : index
    %get3A_13 = arith.constant 0 : index
    %get3A_14 = vector.load %arg4[%get3A_12, %get3A_13] : memref<1x128xf32, #tpu.memory_space<vmem>>, vector<1x128xf32>
    %add3A_15 = vector.broadcast %get3A_14 : vector<1x128xf32> to vector<1000x128xf32>
    %add3A_16 = arith.addf %mul3A_11, %add3A_15 : vector<1000x128xf32>
    %swap3A = arith.constant 0 : index
    %swap3A_17 = arith.constant 0 : index
    %swap3A_18 = vector.load %arg5[%swap3A, %swap3A_17] : memref<1000x128xf32, #tpu.memory_space<vmem>>, vector<1000x128xf32>
    tpu.vector_store %arg5[%swap3A, %swap3A_17], %add3A_16 {strides = array<i32>} : memref<1000x128xf32, #tpu.memory_space<vmem>>, vector<1000x128xf32>,
    %reduce_sum3A = arith.constant dense<0.000000e+00> : vector<128xf32>
    %reduce_sum3A_19 = vector.multi_reduction <add>, %add3A_16, %reduce_sum3A [0] : vector<1000x128xf32> to vector<128xf32>
    %broadcast_in_dim3A = vector.shape_cast %reduce_sum3A_19 : vector<128xf32> to vector<1x128xf32>
    %swap3A_20 = arith.constant 0 : index
    %swap3A_21 = arith.constant 0 : index
    %swap3A_22 = arith.constant 0 : index
    %swap3A_23 = vector.load %arg6[%swap3A_20, %swap3A_21, %swap3A_22] : memref<1x1x128xf32, #tpu.memory_space<vmem>>, vector<1x1x128xf32>
    %swap3A_24 = vector.shape_cast %swap3A_23 : vector<1x1x128xf32> to vector<1x128xf32>
    %swap3A_25 = vector.shape_cast %broadcast_in_dim3A : vector<1x128xf32> to vector<1x1x128xf32>
    tpu.vector_store %arg6[%swap3A_20, %swap3A_21, %swap3A_22], %swap3A_25 {strides = array<i32>} : memref<1x1x128xf32, #tpu.memory_space<vmem>>, vector<1x1x128xf32>,
    %mul3A_26 = arith.mulf %add3A_16, %add3A_16 : vector<1000x128xf32>
    %reduce_sum3A_27 = arith.constant dense<0.000000e+00> : vector<128xf32>
    %reduce_sum3A_28 = vector.multi_reduction <add>, %mul3A_26, %reduce_sum3A_27 [0] : vector<1000x128xf32> to vector<128xf32>
    %broadcast_in_dim3A_29 = vector.shape_cast %reduce_sum3A_28 : vector<128xf32> to vector<1x128xf32>
    %swap3A_30 = arith.constant 0 : index
    %swap3A_31 = arith.constant 0 : index
    %swap3A_32 = arith.constant 0 : index
    %swap3A_33 = vector.load %arg7[%swap3A_30, %swap3A_31, %swap3A_32] : memref<1x1x128xf32, #tpu.memory_space<vmem>>, vector<1x1x128xf32>
    %swap3A_34 = vector.shape_cast %swap3A_33 : vector<1x1x128xf32> to vector<1x128xf32>
    %swap3A_35 = vector.shape_cast %broadcast_in_dim3A_29 : vector<1x128xf32> to vector<1x1x128xf32>
    tpu.vector_store %arg7[%swap3A_30, %swap3A_31, %swap3A_32], %swap3A_35 {strides = array<i32>} : memref<1x1x128xf32, #tpu.memory_space<vmem>>, vector<1x1x128xf32>,
    return
  }
  func.func @transform_0(%arg0: i32) -> (i32, i32) {
    %c0_i32 = arith.constant 0 : i32
    %c0_i32_0 = arith.constant 0 : i32
    return %arg0, %c0_i32 : i32, i32
  }
  func.func @transform_1(%arg0: i32) -> (i32, i32) {
    %c0_i32 = arith.constant 0 : i32
    %c0_i32_0 = arith.constant 0 : i32
    return %arg0, %c0_i32 : i32, i32
  }
  func.func @transform_2(%arg0: i32) -> (i32, i32) {
    %c0_i32 = arith.constant 0 : i32
    %c0_i32_0 = arith.constant 0 : i32
    return %arg0, %c0_i32 : i32, i32
  }
  func.func @transform_3(%arg0: i32) -> (i32, i32) {
    %c0_i32 = arith.constant 0 : i32
    %c0_i32_0 = arith.constant 0 : i32
    %c0_i32_1 = arith.constant 0 : i32
    return %c0_i32, %c0_i32_0 : i32, i32
  }
  func.func @transform_4(%arg0: i32) -> (i32, i32) {
    %c0_i32 = arith.constant 0 : i32
    %c0_i32_0 = arith.constant 0 : i32
    return %arg0, %c0_i32 : i32, i32
  }
  func.func @transform_5(%arg0: i32) -> (i32, i32, i32) {
    %c0_i32 = arith.constant 0 : i32
    %c0_i32_0 = arith.constant 0 : i32
    %c0_i32_1 = arith.constant 0 : i32
    return %arg0, %c0_i32, %c0_i32_0 : i32, i32, i32
  }
  func.func @transform_6(%arg0: i32) -> (i32, i32, i32) {
    %c0_i32 = arith.constant 0 : i32
    %c0_i32_0 = arith.constant 0 : i32
    %c0_i32_1 = arith.constant 0 : i32
    return %arg0, %c0_i32, %c0_i32_0 : i32, i32, i32
  }
}

module attributes {stable_mosaic.version = 14 : i64} {
  func.func @_tc_norm_body(%arg0: i32, %arg1: memref<1000x128xf32, #tpu.memory_space<vmem>>, %arg2: memref<20x1x128xf32, #tpu.memory_space<vmem>>, %arg3: memref<20x1x128xf32, #tpu.memory_space<vmem>>, %arg4: memref<1000x128xf32, #tpu.memory_space<vmem>>) attributes {dimension_semantics = [#tpu.dimension_semantics<arbitrary>], iteration_bounds = array<i64: 20>, scalar_prefetch = 0 : i64, scratch_operands = 0 : i64, tpu.core_type = #tpu.core_type<tc>, window_params = [{transform_indices = @transform_0, window_bounds = array<i64: 1000, 128>}, {pipeline_mode = #tpu.pipeline_mode<synchronous>, transform_indices = @transform_1, window_bounds = array<i64: 20, 1, 128>}, {pipeline_mode = #tpu.pipeline_mode<synchronous>, transform_indices = @transform_2, window_bounds = array<i64: 20, 1, 128>}, {transform_indices = @transform_3, window_bounds = array<i64: 1000, 128>}]} {
    %jit3A = arith.constant 10 : i32
    %div3A = arith.divsi %arg0, %jit3A : i32
    %sign3A = arith.constant 0 : i32
    %sign3A_0 = arith.cmpi sgt, %arg0, %sign3A : i32
    %sign3A_1 = arith.extui %sign3A_0 : i1 to i32
    %sign3A_2 = arith.constant 0 : i32
    %sign3A_3 = arith.cmpi slt, %arg0, %sign3A_2 : i32
    %sign3A_4 = arith.extui %sign3A_3 : i1 to i32
    %sign3A_5 = arith.subi %sign3A_1, %sign3A_4 : i32
    %sign3A_6 = arith.constant 0 : i32
    %sign3A_7 = arith.cmpi sgt, %jit3A, %sign3A_6 : i32
    %sign3A_8 = arith.extui %sign3A_7 : i1 to i32
    %sign3A_9 = arith.constant 0 : i32
    %sign3A_10 = arith.cmpi slt, %jit3A, %sign3A_9 : i32
    %sign3A_11 = arith.extui %sign3A_10 : i1 to i32
    %sign3A_12 = arith.subi %sign3A_8, %sign3A_11 : i32
    %ne3A = arith.cmpi ne, %sign3A_5, %sign3A_12 : i32
    %rem3A = arith.remsi %arg0, %jit3A : i32
    %ne3A_13 = arith.constant 0 : i32
    %ne3A_14 = arith.cmpi ne, %rem3A, %ne3A_13 : i32
    %and3A = arith.andi %ne3A, %ne3A_14 : i1
    %sub3A = arith.constant 1 : i32
    %sub3A_15 = arith.subi %div3A, %sub3A : i32
    %select_n3A = arith.select %and3A, %sub3A_15, %div3A : i32
    %iota3A = tpu.iota {dimensions = array<i32: 0>} : vector<20x1x128xi32>
    %jit3A_16 = arith.constant 10 : i32
    %div3A_17 = vector.broadcast %jit3A_16 : i32 to vector<20x1x128xi32>
    %div3A_18 = arith.divsi %iota3A, %div3A_17 : vector<20x1x128xi32>
    %sign3A_19 = arith.constant 0 : i32
    %sign3A_20 = vector.broadcast %sign3A_19 : i32 to vector<20x1x128xi32>
    %sign3A_21 = arith.cmpi sgt, %iota3A, %sign3A_20 : vector<20x1x128xi32>
    %sign3A_22 = arith.extui %sign3A_21 : vector<20x1x128xi1> to vector<20x1x128xi32>
    %sign3A_23 = arith.constant 0 : i32
    %sign3A_24 = vector.broadcast %sign3A_23 : i32 to vector<20x1x128xi32>
    %sign3A_25 = arith.cmpi slt, %iota3A, %sign3A_24 : vector<20x1x128xi32>
    %sign3A_26 = arith.extui %sign3A_25 : vector<20x1x128xi1> to vector<20x1x128xi32>
    %sign3A_27 = arith.subi %sign3A_22, %sign3A_26 : vector<20x1x128xi32>
    %sign3A_28 = arith.constant 0 : i32
    %sign3A_29 = arith.cmpi sgt, %jit3A_16, %sign3A_28 : i32
    %sign3A_30 = arith.extui %sign3A_29 : i1 to i32
    %sign3A_31 = arith.constant 0 : i32
    %sign3A_32 = arith.cmpi slt, %jit3A_16, %sign3A_31 : i32
    %sign3A_33 = arith.extui %sign3A_32 : i1 to i32
    %sign3A_34 = arith.subi %sign3A_30, %sign3A_33 : i32
    %ne3A_35 = vector.broadcast %sign3A_34 : i32 to vector<20x1x128xi32>
    %ne3A_36 = arith.cmpi ne, %sign3A_27, %ne3A_35 : vector<20x1x128xi32>
    %rem3A_37 = vector.broadcast %jit3A_16 : i32 to vector<20x1x128xi32>
    %rem3A_38 = arith.remsi %iota3A, %rem3A_37 : vector<20x1x128xi32>
    %ne3A_39 = arith.constant 0 : i32
    %ne3A_40 = vector.broadcast %ne3A_39 : i32 to vector<20x1x128xi32>
    %ne3A_41 = arith.cmpi ne, %rem3A_38, %ne3A_40 : vector<20x1x128xi32>
    %and3A_42 = arith.andi %ne3A_36, %ne3A_41 : vector<20x1x128xi1>
    %sub3A_43 = arith.constant 1 : i32
    %sub3A_44 = vector.broadcast %sub3A_43 : i32 to vector<20x1x128xi32>
    %sub3A_45 = arith.subi %div3A_18, %sub3A_44 : vector<20x1x128xi32>
    %select_n3A_46 = arith.select %and3A_42, %sub3A_45, %div3A_18 : vector<20x1x128xi1>, vector<20x1x128xi32>
    %eq3A = vector.broadcast %select_n3A : i32 to vector<20x1x128xi32>
    %eq3A_47 = arith.cmpi eq, %select_n3A_46, %eq3A : vector<20x1x128xi32>
    %get3A = arith.constant 0 : index
    %get3A_48 = arith.constant 0 : index
    %get3A_49 = arith.constant 0 : index
    %get3A_50 = vector.load %arg2[%get3A, %get3A_48, %get3A_49] : memref<20x1x128xf32, #tpu.memory_space<vmem>>, vector<20x1x128xf32>
    %jit3A_51 = arith.constant 0.000000e+00 : f32
    %broadcast_in_dim3A = vector.broadcast %jit3A_51 : f32 to vector<20x1x128xf32>
    %select_n3A_52 = arith.select %eq3A_47, %get3A_50, %broadcast_in_dim3A : vector<20x1x128xi1>, vector<20x1x128xf32>
    %reduce_sum3A = arith.constant dense<0.000000e+00> : vector<1x128xf32>
    %reduce_sum3A_53 = vector.multi_reduction <add>, %select_n3A_52, %reduce_sum3A [0] : vector<20x1x128xf32> to vector<1x128xf32>
    %get3A_54 = arith.constant 0 : index
    %get3A_55 = arith.constant 0 : index
    %get3A_56 = arith.constant 0 : index
    %get3A_57 = vector.load %arg3[%get3A_54, %get3A_55, %get3A_56] : memref<20x1x128xf32, #tpu.memory_space<vmem>>, vector<20x1x128xf32>
    %jit3A_58 = arith.constant 0.000000e+00 : f32
    %broadcast_in_dim3A_59 = vector.broadcast %jit3A_58 : f32 to vector<20x1x128xf32>
    %select_n3A_60 = arith.select %eq3A_47, %get3A_57, %broadcast_in_dim3A_59 : vector<20x1x128xi1>, vector<20x1x128xf32>
    %reduce_sum3A_61 = arith.constant dense<0.000000e+00> : vector<1x128xf32>
    %reduce_sum3A_62 = vector.multi_reduction <add>, %select_n3A_60, %reduce_sum3A_61 [0] : vector<20x1x128xf32> to vector<1x128xf32>
    %div3A_63 = arith.constant 1.000000e+04 : f32
    %div3A_64 = vector.broadcast %div3A_63 : f32 to vector<1x128xf32>
    %div3A_65 = arith.divf %reduce_sum3A_53, %div3A_64 : vector<1x128xf32>
    %mul3A = arith.constant 1.000000e+04 : f32
    %mul3A_66 = vector.broadcast %mul3A : f32 to vector<1x128xf32>
    %mul3A_67 = arith.mulf %mul3A_66, %div3A_65 : vector<1x128xf32>
    %mul3A_68 = arith.mulf %mul3A_67, %div3A_65 : vector<1x128xf32>
    %sub3A_69 = arith.subf %reduce_sum3A_62, %mul3A_68 : vector<1x128xf32>
    %sub3A_70 = arith.constant 1.000000e+04 : f32
    %sub3A_71 = arith.constant 1.000000e+00 : f32
    %sub3A_72 = arith.subf %sub3A_70, %sub3A_71 : f32
    %div3A_73 = vector.broadcast %sub3A_72 : f32 to vector<1x128xf32>
    %div3A_74 = arith.divf %sub3A_69, %div3A_73 : vector<1x128xf32>
    %get3A_75 = arith.constant 0 : index
    %get3A_76 = arith.constant 0 : index
    %get3A_77 = vector.load %arg1[%get3A_75, %get3A_76] : memref<1000x128xf32, #tpu.memory_space<vmem>>, vector<1000x128xf32>
    %sub3A_78 = vector.broadcast %div3A_65 : vector<1x128xf32> to vector<1000x128xf32>
    %sub3A_79 = arith.subf %get3A_77, %sub3A_78 : vector<1000x128xf32>
    %rsqrt3A = math.rsqrt %div3A_74 : vector<1x128xf32>
    %mul3A_80 = vector.broadcast %rsqrt3A : vector<1x128xf32> to vector<1000x128xf32>
    %mul3A_81 = arith.mulf %sub3A_79, %mul3A_80 : vector<1000x128xf32>
    %swap3A = arith.constant 0 : index
    %swap3A_82 = arith.constant 0 : index
    %swap3A_83 = vector.load %arg4[%swap3A, %swap3A_82] : memref<1000x128xf32, #tpu.memory_space<vmem>>, vector<1000x128xf32>
    tpu.vector_store %arg4[%swap3A, %swap3A_82], %mul3A_81 {strides = array<i32>} : memref<1000x128xf32, #tpu.memory_space<vmem>>, vector<1000x128xf32>,
    return
  }
  func.func @transform_0(%arg0: i32) -> (i32, i32) {
    %c0_i32 = arith.constant 0 : i32
    %c0_i32_0 = arith.constant 0 : i32
    return %arg0, %c0_i32 : i32, i32
  }
  func.func @transform_1(%arg0: i32) -> (i32, i32, i32) {
    %c0_i32 = arith.constant 0 : i32
    %c0_i32_0 = arith.constant 0 : i32
    %c0_i32_1 = arith.constant 0 : i32
    %c0_i32_2 = arith.constant 0 : i32
    return %c0_i32, %c0_i32_0, %c0_i32_1 : i32, i32, i32
  }
  func.func @transform_2(%arg0: i32) -> (i32, i32, i32) {
    %c0_i32 = arith.constant 0 : i32
    %c0_i32_0 = arith.constant 0 : i32
    %c0_i32_1 = arith.constant 0 : i32
    %c0_i32_2 = arith.constant 0 : i32
    return %c0_i32, %c0_i32_0, %c0_i32_1 : i32, i32, i32
  }
  func.func @transform_3(%arg0: i32) -> (i32, i32) {
    %c0_i32 = arith.constant 0 : i32
    %c0_i32_0 = arith.constant 0 : i32
    return %arg0, %c0_i32 : i32, i32
  }
}

</mosaic_0001>

<sc_bundles>
// kernel: kernel.12.cloned.1.call-start
scs
__scs_entry_jumppad:
0x0: {  	(pc) =	sbr.rel $0x88, $3  }
0x1: {  	(tag) =	ssettag $0x0;
	lr =	simm.s32 $0x1  }
0x2: {  	[smem:$0x3F99] =	sst lr;
	_ =	strace $0xD0000000  }
0x3: {  	_ = 	snop  }
0x4: {  	_ = 	snop  }
0x5: {  	_ = 	snop  }
0x6: {  	_ = 	snop  }
0x7: {  	_ = 	snop  }
__scs_overlays_trampoline_lowered:
0x8: {  	[smem:$0x3FA8] =	sst s0  }
0x9: {  	[smem:$0x3FA9] =	sst s1  }
0xa: {  	[smem:$0x3FAA] =	sst s2  }
0xb: {  	[smem:$0x3FAB] =	sst s3  }
0xc: {  	[smem:$0x3FAC] =	sst s4  }
0xd: {  	[smem:$0x3FAD] =	sst s5  }
0xe: {  	[smem:$0x3FAE] =	sst s6  }
0xf: {  	[smem:$0x3FAF] =	sst s7  }
0x10: {  	[smem:$0x3FB0] =	sst s8  }
0x11: {  	[smem:$0x3FB1] =	sst s9;
	s0 =	simm.s32 @!p0 $0x0  }
0x12: {  	s1 =	sld [smem:$0x3F97];
	s0 =	simm.s32 @p0 $0x1  }
0x13: {  	[smem:$0x3FB2] =	sst s0;
	s0 =	simm.s32 @!p1 $0x0  }
0x14: {  	s2 =	sld [smem:$0x3F96];
	s0 =	simm.s32 @p1 $0x1  }
0x15: {  	[smem:$0x3FB3] =	sst s0;
	s0 =	simm.s32 @!p2 $0x0  }
0x16: {  	s3 =	sld [smem:$0x3FDB];
	s0 =	simm.s32 @p2 $0x1  }
0x17: {  	s4 =	simm.s32 $0x1BF5;
	[smem:$0x3FB5] =	sst s0  }
0x18: {  	s0 =	sld [smem:$0x3F98];
	_ =	swait.ge [sflag:s4], $0x0  }
0x19: {  	s7 =	sld [smem:$0x3F99]  }
0x1a: {  	s8 =	sadd.s32 $0xFFFFE003, lr  }
0x1b: {  	s9 =	sadd.s32 $0xFFFFFEF7, lr;
	s5 =	simm.s32 $0xFFFFFFFF;
	p2 =	slt.u32 s8, $0xFFFFF086  }
0x1c: {  	p1 =	slt.u32 s9, $0xF7A;
	s5 =	simm.s32 @!p2 $0x0  }
0x1d: {  	s5 =	simm.s32 @p1 $0x1;
	p0 =	seq.s32 s7, s2  }
0x1e: {  	s7 =	smul.u32 @!p0 $0xF7A, s2;
	p2 =	seq.s32 @!p0 s5, $0x0  }
0x1f: {  	s9 =	smul.u32 $0xF7A, s1;
	s8 =	simm.s32 @!p0 $0x1BF5;
	p2 =	por !p2, p0  }
0x20: {  	[sflag:s8] =	ssyncset.s32 @!p0 $0xFFFFF086;
	s6 =	sadd.s32 @!p0 s3, s7;
	s7 =	simm.s32 @!p0 $0x108  }
0x21: {  	s3 =	sadd.s32 s3, s9;
	s6 =	sadd.s32 @!p0 $0x88, s6;
	s7 =	simm.s32 @p2 $0x1082  }
0x22: {  	[simem:s7], [sflag:s8] =	dma.local @!p0 [hbm:s6], $0xF7A  }
0x23: {  	s9 =	sor.u32 $0xD0000000, s2;
	s6 =	simm.s32 $0x108;
	_ =	swait.ge @!p0 [sflag:s8], $0x0  }
0x24: {  	s3 =	sadd.s32 $0x88, s3;
	s6 =	simm.s32 @!p1 $0x1082;
	[sflag:s4] =	ssyncset.s32 $0xFFFFF086  }
0x25: {  	[simem:s6], [sflag:s4] =	dma.local [hbm:s3], $0xF7A  }
0x26: {  	[smem:$0x3F99] =	sst s1;
	(tag) =	ssettag s2;
	_ =	strace s9  }
0x27: {  	s1 =	sld [smem:$0x3FA9]  }
0x28: {  	s2 =	sld [smem:$0x3FAA]  }
0x29: {  	s4 =	sld [smem:$0x3FAC]  }
0x2a: {  	p0 =	seq.s32 s5, $0x0;
	s5 =	sld [smem:$0x3FAD]  }
0x2b: {  	s6 =	sld [smem:$0x3FAE]  }
0x2c: {  	s7 =	sld [smem:$0x3FAF]  }
0x2d: {  	s3 =	simm.s32 $0x108;
	s8 =	sld [smem:$0x3FB0]  }
0x2e: {  	s3 =	simm.s32 @!p0 $0x1082;
	s9 =	sld [smem:$0x3FB1]  }
0x2f: {  	lr =	sadd.s32 s0, s3;
	s0 =	sld [smem:$0x3FA8]  }
0x30: {  	s3 =	sld [smem:$0x3FAB]  }
0x31: {  	[smem:$0x3FB4] =	sst s10  }
0x32: {  	s10 =	sld [smem:$0x3FB2];
	_ =	sdelay $0x3  }
0x33: {  	p0 =	seq.s32 s10, $0x1;
	s10 =	sld [smem:$0x3FB4];
	_ =	sdelay $0x3  }
0x34: {  	[smem:$0x3FB4] =	sst s10  }
0x35: {  	s10 =	sld [smem:$0x3FB3];
	_ =	sdelay $0x3  }
0x36: {  	p1 =	seq.s32 s10, $0x1;
	s10 =	sld [smem:$0x3FB4];
	_ =	sdelay $0x3  }
0x37: {  	[smem:$0x3FB4] =	sst s10  }
0x38: {  	s10 =	sld [smem:$0x3FB5]  }
0x39: {  	_ = 	snop;
	(pc) =	sbr.ind lr, $3  }
0x3a: {  	_ = 	snop  }
0x3b: {  	_ = 	snop  }
0x3c: {  	p2 =	seq.s32 s10, $0x1;
	s10 =	sld [smem:$0x3FB4]  }
0x3d: {  	_ =	shalt  }
0x3e: {  	_ =	shalt  }
0x3f: {  	_ =	shalt  }
0x40: {  	_ =	shalt  }
0x41: {  	_ =	shalt  }
0x42: {  	_ =	shalt  }
0x43: {  	_ =	shalt  }
0x44: {  	_ =	shalt  }
0x45: {  	_ =	shalt  }
0x46: {  	_ =	shalt  }
0x47: {  	_ =	shalt  }
0x48: {  	_ =	shalt  }
0x49: {  	_ =	shalt  }
0x4a: {  	_ =	shalt  }
0x4b: {  	_ =	shalt  }
0x4c: {  	_ =	shalt  }
0x4d: {  	_ =	shalt  }
0x4e: {  	_ =	shalt  }
0x4f: {  	_ =	shalt  }
0x50: {  	_ =	shalt  }
0x51: {  	_ =	shalt  }
0x52: {  	_ =	shalt  }
0x53: {  	_ =	shalt  }
0x54: {  	_ =	shalt  }
0x55: {  	_ =	shalt  }
0x56: {  	_ =	shalt  }
0x57: {  	_ =	shalt  }
0x58: {  	_ =	shalt  }
0x59: {  	_ =	shalt  }
0x5a: {  	_ =	shalt  }
0x5b: {  	_ =	shalt  }
0x5c: {  	_ =	shalt  }
0x5d: {  	_ =	shalt  }
0x5e: {  	_ =	shalt  }
0x5f: {  	_ =	shalt  }
0x60: {  	_ =	shalt  }
0x61: {  	_ =	shalt  }
0x62: {  	_ =	shalt  }
0x63: {  	_ =	shalt  }
0x64: {  	_ =	shalt  }
0x65: {  	_ =	shalt  }
0x66: {  	_ =	shalt  }
0x67: {  	_ =	shalt  }
0x68: {  	_ =	shalt  }
0x69: {  	_ =	shalt  }
0x6a: {  	_ =	shalt  }
0x6b: {  	_ =	shalt  }
0x6c: {  	_ =	shalt  }
0x6d: {  	_ =	shalt  }
0x6e: {  	_ =	shalt  }
0x6f: {  	_ =	shalt  }
0x70: {  	_ =	shalt  }
0x71: {  	_ =	shalt  }
0x72: {  	_ =	shalt  }
0x73: {  	_ =	shalt  }
0x74: {  	_ =	shalt  }
0x75: {  	_ =	shalt  }
0x76: {  	_ =	shalt  }
0x77: {  	_ =	shalt  }
0x78: {  	_ =	shalt  }
0x79: {  	_ =	shalt  }
0x7a: {  	_ =	shalt  }
0x7b: {  	_ =	shalt  }
0x7c: {  	_ =	shalt  }
0x7d: {  	_ =	shalt  }
0x7e: {  	_ =	shalt  }
0x7f: {  	_ =	shalt  }
0x80: {  	_ =	shalt  }
0x81: {  	_ =	shalt  }
0x82: {  	_ =	shalt  }
0x83: {  	_ =	shalt  }
0x84: {  	_ =	shalt  }
0x85: {  	_ =	shalt  }
0x86: {  	_ =	shalt  }
0x87: {  	_ =	shalt  }
.Lfunc_end0:
.L_simem_size_0:
called_computation.1_lowered:
.L_overlay_start_0:
0x88: {  	s2 =	sld [smem:$0x3FD9]  }
0x89: {  	s3 =	sld [smem:$0x3FFE];
	_ =	sdelay $0x1  }
0x8a: {  	s1 =	srdreg.scid  }
0x8b: {  	s0 =	sand.u32 $0x1, s1  }
0x8c: {  	s14 =	sshll.u32 s0, $0xA;
	s2 =	sadd.s32 s3, s2  }
0x8d: {  	s2 =	sadd.s32 s2, s14  }
0x8e: {  	[smem:$0x3FC0] =	sst s2  }
0x8f: {  	_ = 	snop  }
0x90: {  	s2 =	sld [smem:$0x3FD0];
	_ =	sdelay $0x2  }
0x91: {  	s15 =	simm.s32 $0xA;
	s4 =	simm.s32 $0x10  }
0x92: {  	[smem:s4], [sflag:s15] =	dma.local [hbm:s2], $0x1  }
0x93: {  	_ =	swait.eq [sflag:s15], $0x1  }
0x94: {  	[sflag:s15] =	ssyncset.done $0x0  }
0x95: {  	s16 =	sld [smem:$0x10];
	[sflag:s15] =	ssyncadd.s32 $0xFFFFFFFF  }
0x96: {  	s17 =	sld [smem:$0x11];
	(tm) =	ssettm $0x1  }
0x97: {  	s18 =	sld [smem:$0x3FFB];
	_ =	sdelay $0x3  }
0x98: {  	_ =	strace s18  }
0x99: {  	s4 =	sld [smem:$0x3FFC];
	_ =	sdelay $0x3  }
0x9a: {  	_ =	strace s4  }
0x9b: {  	s4 =	sld [smem:$0x3FFD];
	_ =	sdelay $0x3  }
0x9c: {  	_ =	strace s4  }
0x9d: {  	_ =	strace $0x8FFFFFFF  }
0x9e: {  	s19 =	sld [smem:$0x3FDB];
	_ =	sdelay $0x1  }
0x9f: {  	s5 =	simm.s32 $_scs_section_size  }
0xa0: {  	s6 =	simm.s32 $_size__tile_overlayer_lowered;
	s7 =	simm.s32 $_tile_overlayer_lowered  }
0xa1: {  	s22 =	simm.s32 $0x1BFF;
	s21 =	sshll.u32 s7, $0x1;
	s4 =	sadd.s32 s5, s19  }
0xa2: {  	s8 =	simm.s32 $0x0;
	s20 =	sshll.u32 s6, $0x1;
	s6 =	sadd.s32 s21, s4  }
0xa3: {  	[timem:s8], [sflag:s22] =	dma.local [hbm:s6], s20  }
0xa4: {  	_ =	swait.ge [sflag:s22], s20  }
0xa5: {  	s5 =	ssub.s32 $0x0, s20;
	[sflag:s22] =	ssyncset.done $0x0  }
0xa6: {  	[sflag:s22] =	ssyncadd.s32 s5;
	_ =	sdelay $0x1  }
0xa7: {  	s23 =	simm.s32 $0x1B8B  }
0xa8: {  	_ =	swait.ge [sflag:s23], $0x1  }
0xa9: {  	[sflag:s23] =	ssyncset.done $0x0  }
0xaa: {  	s25 =	simm.s32 $0x1B8E;
	s24 =	sld [smem:$0x3FFE];
	[sflag:s23] =	ssyncadd.s32 $0xFFFFFFFF  }
0xab: {  	s26 =	simm.s32 $execute0_lowered;
	[smem:$0x3FD2] =	sst s25  }
0xac: {  	s6 =	sshll.u32 s26, $0x1;
	_ =	strace $0x80000049;
	[dreg:$0x1] =	wrdreg $0xFFFFFFFF  }
0xad: {  	s28 =	simm.s32 $_size_execute0_lowered;
	s4 =	sadd.s32 s4, s6;
	[dreg:$0x0] =	wrdreg $0x0  }
0xae: {  	s6 =	sshll.u32 s28, $0x1;
	[dreg:$0x2] =	wrdreg s4  }
0xaf: {  	[dreg:$0x3] =	wrdreg s6  }
0xb0: {  	[dreg:$0x4] =	wrdreg $0xC0  }
0xb1: {  	_ =	task [dreg:s8], $0x5FFFF  }
0xb2: {  	[dreg:$0x1] =	wrdreg $0xFFFFFFFF  }
0xb3: {  	[dreg:$0x0] =	wrdreg $0x60  }
0xb4: {  	[dreg:$0x2] =	wrdreg s24  }
0xb5: {  	[dreg:$0x3] =	wrdreg s17  }
0xb6: {  	[dreg:$0x4] =	wrdreg s16  }
0xb7: {  	[dreg:$0x5] =	wrdreg $0x0  }
0xb8: {  	[dreg:$0x6] =	wrdreg $0x9  }
0xb9: {  	_ =	task.clear_ibuf [dreg:s8], $0x7FFFF;
	_ =	strace $0x90000049  }
0xba: {  	s29 =	simm.s32 $0x9;
	_ =	strace $0x8000004B  }
0xbb: {  	_ =	swait.ge [sflag:s29], $0x1  }
0xbc: {  	[sflag:s29] =	ssyncadd.s32 $0xFFFFFFFF  }
0xbd: {  	_ =	strace $0x9000004B  }
0xbe: {  	_ =	sfence  }
0xbf: {  	s30 =	sld [smem:$0x0];
	_ =	sdelay $0x2  }
0xc0: {  	s31 =	sshll.u32 s1, $0xD;
	s1 =	sshrl.u32 s1, $0x2  }
0xc1: {  	s3 =	sand.u32 $0x4000, s31;
	s1 =	sadd.s32 s1, s30  }
0xc2: {  	s0 =	sor.u32 s3, s0;
	s1 =	sshll.u32 s1, $0x11  }
0xc3: {  	s0 =	sor.u32 s1, s0  }
0xc4: {  	s0 =	sadd.s32 $0x8F2B, s0  }
0xc5: {  	[sflag:s0] =	ssyncadd.remote.s32 $0x1  }
0xc6: {  	_ =	sfence.sel $0xFFFF  }
0xc7: {  	[dreg:$0x0] =	wrdreg $0xFFFFFFFF;
	(pc) =	sbr.abs _section_cstart, $3  }
0xc8: {  	[dreg:$0x1] =	wrdreg $0xFFFFFFFF  }
0xc9: {  	_ =	task.clear_ibuf [dreg:s8], $0x2FFFF;
	_ =	strace $0x9FFFFFFF  }
0xca: {  	(tm) =	ssettm $0x7FFFFFFF  }
0xcb: {  	_ =	shalt  }
tec
execute0_lowered:
.L_overlay_start_1:
0x0: {  	(tag) =	ssettag $0x1  }
0x1: {  	s7 =	rddreg [dreg:$0x0]  }
0x2: {  	s2 =	rddreg [dreg:$0x1]  }
0x3: {  	s3 =	rddreg [dreg:$0x2]  }
0x4: {  	s4 =	rddreg [dreg:$0x3];
	s0 =	stileid.u32  }
0x5: {  	s6 =	srdreg.scid;
	s1 =	rddreg [dreg:$0x4]  }
0x6: {  	s5 =	simm.s32 $0x0;
	s14 =	simm.s32 $0x14900;
	s15 =	simm.s32 $0x80  }
0x7: {  	s16 =	simm.s32 $0x15900;
	s17 =	simm.s32 $0x19900;
	s18 =	simm.s32 $0x1  }
0x8: {  	s19 =	simm.s32 $0x2;
	s20 =	simm.s32 $0x14880;
	s8 =	smul.u32 $0x278, s0  }
0x9: {  	s21 =	simm.s32 $0x15800;
	s22 =	simm.s32 $0x15880;
	s9 =	sand.u32 $0x1, s6  }
0xa: {  	[smem:$0x7FF] =	sst s5;
	s10 =	smul.u32 $0x138800, s9;
	s8 =	smin.u32 s8, $0x2498  }
0xb: {  	s6 =	sadd.s32 $0x50200, s7;
	s13 =	smul.u32 $0x5000, s0;
	s8 =	sshll.u32 s8, $0x7  }
0xc: {  	_ =	strace $0x8000004A;
	s11 =	ssub.s32 $0x2, s9;
	s10 =	sadd.s32 s10, s8  }
0xd: {  	s9 =	smul.u32 $0x50000, s9;
	s12 =	sshrl.u32 s11, $0x1;
	s10 =	sshrl.u32 s10, $0x3  }
0xe: {  	s11 =	ssub.s32 s11, s12;
	s12 =	simm.s32 $0x3;
	s10 =	sadd.s32 s10, s7  }
0xf: {  	s7 =	sadd.s32 s8, s4;
	s8 =	sadd.s32 s13, s9;
	s13 =	simm.s32 $0x13900  }
0x10: {  	v0 =	vimm.f32 $0.0e+00;
	s9 =	sadd.s32 $0x9E400, s10;
	s10 =	smax.u32 s11, $0x1;
	s11 =	simm.s32 $0x1D900  }
.LBB2_1:
0x11: {  	[tilespmem:$0x1D900] =	vst v0  }
0x12: {  	[tilespmem:$0x1D910] =	vst v0  }
0x13: {  	[tilespmem:$0x1D920] =	vst v0  }
0x14: {  	[tilespmem:$0x1D930] =	vst v0  }
0x15: {  	[tilespmem:$0x1D940] =	vst v0  }
0x16: {  	[tilespmem:$0x1D950] =	vst v0  }
0x17: {  	[tilespmem:$0x1D960] =	vst v0  }
0x18: {  	[tilespmem:$0x1D970] =	vst v0  }
0x19: {  	[tilespmem:$0x1D980] =	vst v0  }
0x1a: {  	[tilespmem:$0x1D990] =	vst v0  }
0x1b: {  	[tilespmem:$0x1D9A0] =	vst v0  }
0x1c: {  	[tilespmem:$0x1D9B0] =	vst v0  }
0x1d: {  	[tilespmem:$0x1D9C0] =	vst v0  }
0x1e: {  	[tilespmem:$0x1D9D0] =	vst v0  }
0x1f: {  	[tilespmem:$0x1D9E0] =	vst v0  }
0x20: {  	[tilespmem:$0x1D9F0] =	vst v0  }
0x21: {  	[tilespmem:$0x1DA00] =	vst v0  }
0x22: {  	[tilespmem:$0x1DA10] =	vst v0  }
0x23: {  	[tilespmem:$0x1DA20] =	vst v0  }
0x24: {  	[tilespmem:$0x1DA30] =	vst v0  }
0x25: {  	[tilespmem:$0x1DA40] =	vst v0  }
0x26: {  	[tilespmem:$0x1DA50] =	vst v0  }
0x27: {  	[tilespmem:$0x1DA60] =	vst v0  }
0x28: {  	[tilespmem:$0x1DA70] =	vst v0  }
0x29: {  	[tilespmem:$0x1DA80] =	vst v0  }
0x2a: {  	[tilespmem:$0x1DA90] =	vst v0  }
0x2b: {  	[tilespmem:$0x1DAA0] =	vst v0  }
0x2c: {  	[tilespmem:$0x1DAB0] =	vst v0  }
0x2d: {  	[tilespmem:$0x1DAC0] =	vst v0  }
0x2e: {  	[tilespmem:$0x1DAD0] =	vst v0  }
0x2f: {  	[tilespmem:$0x1DAE0] =	vst v0  }
0x30: {  	[tilespmem:$0x1DAF0] =	vst v0  }
0x31: {  	[tilespmem:$0x1DB00] =	vst v0  }
0x32: {  	[tilespmem:$0x1DB10] =	vst v0  }
0x33: {  	[tilespmem:$0x1DB20] =	vst v0  }
0x34: {  	[tilespmem:$0x1DB30] =	vst v0  }
0x35: {  	[tilespmem:$0x1DB40] =	vst v0  }
0x36: {  	[tilespmem:$0x1DB50] =	vst v0  }
0x37: {  	[tilespmem:$0x1DB60] =	vst v0  }
0x38: {  	[tilespmem:$0x1DB70] =	vst v0  }
0x39: {  	[tilespmem:$0x1DB80] =	vst v0  }
0x3a: {  	[tilespmem:$0x1DB90] =	vst v0  }
0x3b: {  	[tilespmem:$0x1DBA0] =	vst v0  }
0x3c: {  	[tilespmem:$0x1DBB0] =	vst v0  }
0x3d: {  	[tilespmem:$0x1DBC0] =	vst v0  }
0x3e: {  	[tilespmem:$0x1DBD0] =	vst v0  }
0x3f: {  	[tilespmem:$0x1DBE0] =	vst v0  }
0x40: {  	[tilespmem:$0x1DBF0] =	vst v0  }
0x41: {  	[tilespmem:$0x1DC00] =	vst v0  }
0x42: {  	[tilespmem:$0x1DC10] =	vst v0  }
0x43: {  	[tilespmem:$0x1DC20] =	vst v0  }
0x44: {  	[tilespmem:$0x1DC30] =	vst v0  }
0x45: {  	[tilespmem:$0x1DC40] =	vst v0  }
0x46: {  	[tilespmem:$0x1DC50] =	vst v0  }
0x47: {  	[tilespmem:$0x1DC60] =	vst v0  }
0x48: {  	[tilespmem:$0x1DC70] =	vst v0  }
0x49: {  	[tilespmem:$0x1DC80] =	vst v0  }
0x4a: {  	[tilespmem:$0x1DC90] =	vst v0  }
0x4b: {  	[tilespmem:$0x1DCA0] =	vst v0  }
0x4c: {  	[tilespmem:$0x1DCB0] =	vst v0  }
0x4d: {  	[tilespmem:$0x1DCC0] =	vst v0  }
0x4e: {  	[tilespmem:$0x1DCD0] =	vst v0  }
0x4f: {  	[tilespmem:$0x1DCE0] =	vst v0  }
0x50: {  	[tilespmem:$0x1DCF0] =	vst v0;
	s23 =	sadd.s32 $0x0, s7  }
0x51: {  	[spmem:s23] =	stream.linear.scatter [tilespmem:s11], [sflag:$0x3], $0x400, $0x38;
	[tilespmem:$0x1DD00] =	vst v63  }
0x52: {  	s23 =	simm.s32 $0x1000;
	_ =	swait.ge [sflag:s12], $0x400  }
.LBB2_2:
0x53: {  	s24 =	sshra.s32 s23, $0x2;
	[sflag:s12] =	ssyncset.done $0x0;
	p0 =	sne.s32 s23, $0x4E000  }
.Ltmp0:
0x54: {  	s24 =	sadd.s32 s24, s7;
	[sflag:s12] =	ssyncadd.s32 $0xFFFFFC00;
	(pc) =	sbr.rel @p0 .LBB2_2-.Ltmp0, $3  }
0x55: {  	[spmem:s24] =	stream.linear.scatter [tilespmem:s11], [sflag:$0x3], $0x400, $0x38;
	[tilespmem:$0x1DD00] =	vst v63  }
0x56: {  	s23 =	sadd.s32 $0x1000, s23;
	_ =	sdelay $0x1  }
0x57: {  	_ =	swait.ge [sflag:s12], $0x400  }
0x58: {  	[sflag:s12] =	ssyncset.done $0x0  }
0x59: {  	[sflag:s12] =	ssyncadd.s32 $0xFFFFFC00  }
0x5a: {  	s23 =	simm.s32 $0x0;
	s24 =	simm.s32 $0x0;
	[bflag:$0x0] =	sbarrier.arrive $0xFFFF  }
.LBB2_4:
0x5b: {  	s25 =	sshll.u32 s24, $0xC  }
0x5c: {  	s25 =	sadd.s32 s25, s8  }
0x5d: {  	s25 =	sshrl.u32 s25, $0x3  }
0x5e: {  	s26 =	sadd.s32 s2, s25  }
0x5f: {  	[tilespmem:s13], [sflag:$0x3] =	stream.linear.gather [hbm4b:s26+s23], $0x1000, $0x38;
	[tilespmem:$0x1DD00] =	vst v63  }
0x60: {  	_ =	swait.ge [sflag:s12], $0x1000  }
0x61: {  	[sflag:s12] =	ssyncset.done $0x0  }
0x62: {  	s25 =	sadd.s32 s3, s25;
	[sflag:s12] =	ssyncadd.s32 $0xFFFFF000  }
0x63: {  	[tilespmem:s14], [sflag:$0x3] =	stream.linear.gather [hbm4b:s25+s23], $0x1000, $0x38;
	[tilespmem:$0x1DD00] =	vst v63  }
0x64: {  	_ =	swait.ge [sflag:s12], $0x1000  }
0x65: {  	[sflag:s12] =	ssyncset.done $0x0  }
0x66: {  	[sflag:s12] =	ssyncadd.s32 $0xFFFFF000  }
0x67: {  	[tilespmem:s16], [sflag:$0x1] =	stream.indirect.gather [hbm4b:s6+s15], $0x80, s13, s15, $0xb8;
	[tilespmem:$0x1DD00] =	vst v63  }
0x68: {  	s28 =	simm.s32 $0x13980  }
0x69: {  	[tilespmem:s17], [sflag:$0x2] =	stream.indirect.gather [hbm4b:s6+s15], $0x80, s28, s15, $0xb8;
	[tilespmem:$0x1DD00] =	vst v63  }
0x6a: {  	_ =	swait.ge [sflag:s18], $0x4000  }
0x6b: {  	[sflag:s18] =	ssyncset.done $0x0  }
0x6c: {  	s29 =	simm.s32 $0x14900;
	[sflag:s18] =	ssyncadd.s32 $0xFFFFC000  }
0x6d: {  	[spmem:s4] =	stream.indirect.scatter.add.f32 [tilespmem:s16], [sflag:$0x3], $0x80, s29, s15, $0xb8;
	[tilespmem:$0x1DD00] =	vst v63  }
0x6e: {  	_ =	swait.ge [sflag:s12], $0x4000  }
0x6f: {  	[sflag:s12] =	ssyncset.done $0x0  }
0x70: {  	s30 =	simm.s32 $0x13A00;
	[sflag:s12] =	ssyncadd.s32 $0xFFFFC000  }
0x71: {  	[tilespmem:s16], [sflag:$0x1] =	stream.indirect.gather [hbm4b:s6+s15], $0x80, s30, s15, $0xb8;
	[tilespmem:$0x1DD00] =	vst v63  }
0x72: {  	_ =	swait.ge [sflag:s19], $0x4000  }
0x73: {  	[sflag:s19] =	ssyncset.done $0x0  }
0x74: {  	s31 =	simm.s32 $0x14980;
	[sflag:s19] =	ssyncadd.s32 $0xFFFFC000  }
0x75: {  	[spmem:s4] =	stream.indirect.scatter.add.f32 [tilespmem:s17], [sflag:$0x3], $0x80, s31, s15, $0xb8;
	[tilespmem:$0x1DD00] =	vst v63  }
0x76: {  	_ =	swait.ge [sflag:s12], $0x4000  }
0x77: {  	s26 =	simm.s32 $0x800;
	s25 =	simm.s32 $0x100;
	[sflag:s12] =	ssyncset.done $0x0  }
.LBB2_5:
0x78: {  	s28 =	sadd.s32 $0x13980, s25  }
0x79: {  	[sflag:s12] =	ssyncadd.s32 $0xFFFFC000;
	s29 =	smov.u32 s26;
	s30 =	sadd.s32 $0x400, s26  }
0x7a: {  	[tilespmem:s17], [sflag:$0x2] =	stream.indirect.gather [hbm4b:s6+s15], $0x80, s28, s15, $0xb8;
	[tilespmem:$0x1DD00] =	vst v63  }
0x7b: {  	p0 =	sne.s32 s26, $0x3800;
	_ =	swait.ge [sflag:s18], $0x4000  }
0x7c: {  	[sflag:s18] =	ssyncset.done $0x0  }
0x7d: {  	s26 =	sadd.s32 $0x14900, s25;
	[sflag:s18] =	ssyncadd.s32 $0xFFFFC000  }
0x7e: {  	[spmem:s4] =	stream.indirect.scatter.add.f32 [tilespmem:s16], [sflag:$0x3], $0x80, s26, s15, $0xb8;
	[tilespmem:$0x1DD00] =	vst v63  }
0x7f: {  	_ =	swait.ge [sflag:s12], $0x4000  }
0x80: {  	[sflag:s12] =	ssyncset.done $0x0  }
0x81: {  	s26 =	sadd.s32 $0x13A00, s25;
	[sflag:s12] =	ssyncadd.s32 $0xFFFFC000  }
0x82: {  	[tilespmem:s16], [sflag:$0x1] =	stream.indirect.gather [hbm4b:s6+s15], $0x80, s26, s15, $0xb8;
	[tilespmem:$0x1DD00] =	vst v63  }
0x83: {  	_ =	swait.ge [sflag:s19], $0x4000  }
.Ltmp1:
0x84: {  	[sflag:s19] =	ssyncset.done $0x0;
	(pc) =	sbr.rel @p0 .LBB2_5-.Ltmp1, $4  }
0x85: {  	s25 =	sadd.s32 $0x14980, s25;
	[sflag:s19] =	ssyncadd.s32 $0xFFFFC000  }
0x86: {  	[spmem:s4] =	stream.indirect.scatter.add.f32 [tilespmem:s17], [sflag:$0x3], $0x80, s25, s15, $0xb8;
	[tilespmem:$0x1DD00] =	vst v63  }
0x87: {  	_ =	swait.ge [sflag:s12], $0x4000  }
0x88: {  	s26 =	smov.u32 s30;
	s25 =	sshra.s32 s29, $0x2;
	[sflag:s12] =	ssyncset.done $0x0  }
0x89: {  	s26 =	sadd.s32 $0x13980, s25;
	[sflag:s12] =	ssyncadd.s32 $0xFFFFC000  }
0x8a: {  	[tilespmem:s17], [sflag:$0x2] =	stream.indirect.gather [hbm4b:s6+s15], $0x80, s26, s15, $0xb8;
	[tilespmem:$0x1DD00] =	vst v63  }
0x8b: {  	_ =	swait.ge [sflag:s18], $0x4000  }
0x8c: {  	[sflag:s18] =	ssyncset.done $0x0  }
0x8d: {  	s29 =	sadd.s32 $0x14900, s25;
	[sflag:s18] =	ssyncadd.s32 $0xFFFFC000  }
0x8e: {  	[spmem:s4] =	stream.indirect.scatter.add.f32 [tilespmem:s16], [sflag:$0x3], $0x80, s29, s15, $0xb8;
	[tilespmem:$0x1DD00] =	vst v63  }
0x8f: {  	_ =	swait.ge [sflag:s12], $0x4000  }
0x90: {  	[sflag:s12] =	ssyncset.done $0x0  }
0x91: {  	s30 =	sadd.s32 $0x13A00, s25;
	[sflag:s12] =	ssyncadd.s32 $0xFFFFC000  }
0x92: {  	[tilespmem:s16], [sflag:$0x1] =	stream.indirect.gather [hbm4b:s6+s15], $0x80, s30, s15, $0xb8;
	[tilespmem:$0x1DD00] =	vst v63  }
0x93: {  	_ =	swait.ge [sflag:s19], $0x4000  }
0x94: {  	[sflag:s19] =	ssyncset.done $0x0  }
0x95: {  	s31 =	sadd.s32 $0x14980, s25;
	[sflag:s19] =	ssyncadd.s32 $0xFFFFC000  }
0x96: {  	[spmem:s4] =	stream.indirect.scatter.add.f32 [tilespmem:s17], [sflag:$0x3], $0x80, s31, s15, $0xb8;
	[tilespmem:$0x1DD00] =	vst v63  }
0x97: {  	_ =	swait.ge [sflag:s12], $0x4000  }
0x98: {  	[sflag:s12] =	ssyncset.done $0x0  }
0x99: {  	[sflag:s12] =	ssyncadd.s32 $0xFFFFC000  }
0x9a: {  	[tilespmem:s17], [sflag:$0x2] =	stream.indirect.gather [hbm4b:s6+s15], $0x80, s20, s15, $0xb8;
	[tilespmem:$0x1DD00] =	vst v63  }
0x9b: {  	_ =	swait.ge [sflag:s18], $0x4000  }
0x9c: {  	[sflag:s18] =	ssyncset.done $0x0  }
0x9d: {  	[sflag:s18] =	ssyncadd.s32 $0xFFFFC000  }
0x9e: {  	[spmem:s4] =	stream.indirect.scatter.add.f32 [tilespmem:s16], [sflag:$0x3], $0x80, s21, s15, $0xb8;
	[tilespmem:$0x1DD00] =	vst v63  }
0x9f: {  	_ =	swait.ge [sflag:s12], $0x4000  }
0xa0: {  	[sflag:s12] =	ssyncset.done $0x0  }
0xa1: {  	[sflag:s12] =	ssyncadd.s32 $0xFFFFC000  }
0xa2: {  	[tilespmem:s16], [sflag:$0x1] =	stream.indirect.gather [hbm4b:s6+s15], $0x80, s20, s15, $0xb8;
	[tilespmem:$0x1DD00] =	vst v63  }
0xa3: {  	_ =	swait.ge [sflag:s19], $0x4000  }
0xa4: {  	[sflag:s19] =	ssyncset.done $0x0  }
0xa5: {  	s24 =	sadd.s32 $0x1, s24;
	[sflag:s19] =	ssyncadd.s32 $0xFFFFC000  }
0xa6: {  	[spmem:s4] =	stream.indirect.scatter.add.f32 [tilespmem:s17], [sflag:$0x3], $0x80, s22, s15, $0xb8;
	[tilespmem:$0x1DD00] =	vst v63  }
0xa7: {  	p0 =	sne.s32 s24, $0x5;
	_ =	swait.ge [sflag:s12], $0x4000  }
.Ltmp2:
0xa8: {  	[sflag:s12] =	ssyncset.done $0x0;
	(pc) =	sbr.rel @p0 .LBB2_4-.Ltmp2, $4  }
0xa9: {  	[sflag:s12] =	ssyncadd.s32 $0xFFFFC000  }
0xaa: {  	_ =	swait.ge [sflag:s18], $0x4000  }
0xab: {  	[sflag:s18] =	ssyncset.done $0x0  }
0xac: {  	[sflag:s18] =	ssyncadd.s32 $0xFFFFC000  }
0xad: {  	s5 =	sadd.s32 $0x1, s5  }
0xae: {  	s23 =	sshll.u32 s0, $0x6;
	[bflag:$0x0] =	sbarrier.arrive $0xFFFF;
	p0 =	sne.s32 s5, s10  }
.Ltmp3:
0xaf: {  	s24 =	sshrl.u32 s7, $0x3;
	s23 =	sor.u32 $0x1C03, s23;
	(pc) =	sbr.rel @p0 .LBB2_1-.Ltmp3, $4  }
0xb0: {  	[hbm:s9], [sflag:s23] =	dma.local [spmem:s24], $0x2780  }
0xb1: {  	_ =	swait.ge [sflag:s12], $0x2780  }
0xb2: {  	[sflag:s12] =	ssyncset.done $0x0  }
0xb3: {  	[sflag:s12] =	ssyncadd.s32 $0xFFFFD880  }
0xb4: {  	_ =	sfence.sel $0x180000  }
0xb5: {  	[bflag:$0x0] =	sbarrier.arrive $0xFFFF  }
0xb6: {  	p0 =	sne.s32 s0, $0x0;
	_ =	strace $0x9000004A  }
0xb7: {  	s0 =	sadd.s32 @!p0 $0x100000, s1;
	[bflag:$0x2] =	sbarrier.arrive $0xFFFF  }
0xb8: {  	[sflag:s0] =	ssyncadd.tile.s32 @!p0 $0x1;
	_ =	shalt  }
.Lfunc_end2:
_tile_overlayer_lowered:
.L_overlay_start_2:
0xb9: {  	(tag) =	ssettag $0x2  }
0xba: {  	s0 =	rddreg [dreg:$0x0];
	s2 =	stileid.u32  }
0xbb: {  	s1 =	rddreg [dreg:$0x1];
	p0 =	sne.s32 s2, $0x0  }
0xbc: {  	s3 =	rddreg [dreg:$0x2];
	[bflag:$0x3] =	sbarrier.arrive $0xFFFF;
	s2 =	simm.s32 @!p0 $0x1C03  }
0xbd: {  	[timem:s3], [sflag:s2] =	dma.local @!p0 [hbm:s0], s1  }
0xbe: {  	s0 =	simm.s32 @!p0 $0x3  }
0xbf: {  	_ =	swait.ge @!p0 [sflag:s0], s1  }
0xc0: {  	s1 =	ssub.s32 @!p0 $0x0, s1;
	[sflag:s0] =	ssyncset.done @!p0 $0x0  }
0xc1: {  	[sflag:s0] =	ssyncadd.s32 @!p0 s1  }
0xc2: {  	[bflag:$0x3] =	sbarrier.arrive $0xFFFF  }
0xc3: {  	_ =	shalt  }

// kernel: kernel.15.cloned.1.call-start
scs
__scs_entry_jumppad:
0x0: {  	(pc) =	sbr.rel $0x88, $3  }
0x1: {  	(tag) =	ssettag $0x0;
	lr =	simm.s32 $0x1  }
0x2: {  	[smem:$0x3F99] =	sst lr;
	_ =	strace $0xD0000000  }
0x3: {  	_ = 	snop  }
0x4: {  	_ = 	snop  }
0x5: {  	_ = 	snop  }
0x6: {  	_ = 	snop  }
0x7: {  	_ = 	snop  }
__scs_overlays_trampoline_lowered:
0x8: {  	[smem:$0x3FA8] =	sst s0  }
0x9: {  	[smem:$0x3FA9] =	sst s1  }
0xa: {  	[smem:$0x3FAA] =	sst s2  }
0xb: {  	[smem:$0x3FAB] =	sst s3  }
0xc: {  	[smem:$0x3FAC] =	sst s4  }
0xd: {  	[smem:$0x3FAD] =	sst s5  }
0xe: {  	[smem:$0x3FAE] =	sst s6  }
0xf: {  	[smem:$0x3FAF] =	sst s7  }
0x10: {  	[smem:$0x3FB0] =	sst s8  }
0x11: {  	[smem:$0x3FB1] =	sst s9;
	s0 =	simm.s32 @!p0 $0x0  }
0x12: {  	s1 =	sld [smem:$0x3F97];
	s0 =	simm.s32 @p0 $0x1  }
0x13: {  	[smem:$0x3FB2] =	sst s0;
	s0 =	simm.s32 @!p1 $0x0  }
0x14: {  	s2 =	sld [smem:$0x3F96];
	s0 =	simm.s32 @p1 $0x1  }
0x15: {  	[smem:$0x3FB3] =	sst s0;
	s0 =	simm.s32 @!p2 $0x0  }
0x16: {  	s3 =	sld [smem:$0x3FDB];
	s0 =	simm.s32 @p2 $0x1  }
0x17: {  	s4 =	simm.s32 $0x1BF5;
	[smem:$0x3FB5] =	sst s0  }
0x18: {  	s0 =	sld [smem:$0x3F98];
	_ =	swait.ge [sflag:s4], $0x0  }
0x19: {  	s7 =	sld [smem:$0x3F99]  }
0x1a: {  	s8 =	sadd.s32 $0xFFFFE003, lr  }
0x1b: {  	s9 =	sadd.s32 $0xFFFFFEF7, lr;
	s5 =	simm.s32 $0xFFFFFFFF;
	p2 =	slt.u32 s8, $0xFFFFF086  }
0x1c: {  	p1 =	slt.u32 s9, $0xF7A;
	s5 =	simm.s32 @!p2 $0x0  }
0x1d: {  	s5 =	simm.s32 @p1 $0x1;
	p0 =	seq.s32 s7, s2  }
0x1e: {  	s7 =	smul.u32 @!p0 $0xF7A, s2;
	p2 =	seq.s32 @!p0 s5, $0x0  }
0x1f: {  	s9 =	smul.u32 $0xF7A, s1;
	s8 =	simm.s32 @!p0 $0x1BF5;
	p2 =	por !p2, p0  }
0x20: {  	[sflag:s8] =	ssyncset.s32 @!p0 $0xFFFFF086;
	s6 =	sadd.s32 @!p0 s3, s7;
	s7 =	simm.s32 @!p0 $0x108  }
0x21: {  	s3 =	sadd.s32 s3, s9;
	s6 =	sadd.s32 @!p0 $0x88, s6;
	s7 =	simm.s32 @p2 $0x1082  }
0x22: {  	[simem:s7], [sflag:s8] =	dma.local @!p0 [hbm:s6], $0xF7A  }
0x23: {  	s9 =	sor.u32 $0xD0000000, s2;
	s6 =	simm.s32 $0x108;
	_ =	swait.ge @!p0 [sflag:s8], $0x0  }
0x24: {  	s3 =	sadd.s32 $0x88, s3;
	s6 =	simm.s32 @!p1 $0x1082;
	[sflag:s4] =	ssyncset.s32 $0xFFFFF086  }
0x25: {  	[simem:s6], [sflag:s4] =	dma.local [hbm:s3], $0xF7A  }
0x26: {  	[smem:$0x3F99] =	sst s1;
	(tag) =	ssettag s2;
	_ =	strace s9  }
0x27: {  	s1 =	sld [smem:$0x3FA9]  }
0x28: {  	s2 =	sld [smem:$0x3FAA]  }
0x29: {  	s4 =	sld [smem:$0x3FAC]  }
0x2a: {  	p0 =	seq.s32 s5, $0x0;
	s5 =	sld [smem:$0x3FAD]  }
0x2b: {  	s6 =	sld [smem:$0x3FAE]  }
0x2c: {  	s7 =	sld [smem:$0x3FAF]  }
0x2d: {  	s3 =	simm.s32 $0x108;
	s8 =	sld [smem:$0x3FB0]  }
0x2e: {  	s3 =	simm.s32 @!p0 $0x1082;
	s9 =	sld [smem:$0x3FB1]  }
0x2f: {  	lr =	sadd.s32 s0, s3;
	s0 =	sld [smem:$0x3FA8]  }
0x30: {  	s3 =	sld [smem:$0x3FAB]  }
0x31: {  	[smem:$0x3FB4] =	sst s10  }
0x32: {  	s10 =	sld [smem:$0x3FB2];
	_ =	sdelay $0x3  }
0x33: {  	p0 =	seq.s32 s10, $0x1;
	s10 =	sld [smem:$0x3FB4];
	_ =	sdelay $0x3  }
0x34: {  	[smem:$0x3FB4] =	sst s10  }
0x35: {  	s10 =	sld [smem:$0x3FB3];
	_ =	sdelay $0x3  }
0x36: {  	p1 =	seq.s32 s10, $0x1;
	s10 =	sld [smem:$0x3FB4];
	_ =	sdelay $0x3  }
0x37: {  	[smem:$0x3FB4] =	sst s10  }
0x38: {  	s10 =	sld [smem:$0x3FB5]  }
0x39: {  	_ = 	snop;
	(pc) =	sbr.ind lr, $3  }
0x3a: {  	_ = 	snop  }
0x3b: {  	_ = 	snop  }
0x3c: {  	p2 =	seq.s32 s10, $0x1;
	s10 =	sld [smem:$0x3FB4]  }
0x3d: {  	_ =	shalt  }
0x3e: {  	_ =	shalt  }
0x3f: {  	_ =	shalt  }
0x40: {  	_ =	shalt  }
0x41: {  	_ =	shalt  }
0x42: {  	_ =	shalt  }
0x43: {  	_ =	shalt  }
0x44: {  	_ =	shalt  }
0x45: {  	_ =	shalt  }
0x46: {  	_ =	shalt  }
0x47: {  	_ =	shalt  }
0x48: {  	_ =	shalt  }
0x49: {  	_ =	shalt  }
0x4a: {  	_ =	shalt  }
0x4b: {  	_ =	shalt  }
0x4c: {  	_ =	shalt  }
0x4d: {  	_ =	shalt  }
0x4e: {  	_ =	shalt  }
0x4f: {  	_ =	shalt  }
0x50: {  	_ =	shalt  }
0x51: {  	_ =	shalt  }
0x52: {  	_ =	shalt  }
0x53: {  	_ =	shalt  }
0x54: {  	_ =	shalt  }
0x55: {  	_ =	shalt  }
0x56: {  	_ =	shalt  }
0x57: {  	_ =	shalt  }
0x58: {  	_ =	shalt  }
0x59: {  	_ =	shalt  }
0x5a: {  	_ =	shalt  }
0x5b: {  	_ =	shalt  }
0x5c: {  	_ =	shalt  }
0x5d: {  	_ =	shalt  }
0x5e: {  	_ =	shalt  }
0x5f: {  	_ =	shalt  }
0x60: {  	_ =	shalt  }
0x61: {  	_ =	shalt  }
0x62: {  	_ =	shalt  }
0x63: {  	_ =	shalt  }
0x64: {  	_ =	shalt  }
0x65: {  	_ =	shalt  }
0x66: {  	_ =	shalt  }
0x67: {  	_ =	shalt  }
0x68: {  	_ =	shalt  }
0x69: {  	_ =	shalt  }
0x6a: {  	_ =	shalt  }
0x6b: {  	_ =	shalt  }
0x6c: {  	_ =	shalt  }
0x6d: {  	_ =	shalt  }
0x6e: {  	_ =	shalt  }
0x6f: {  	_ =	shalt  }
0x70: {  	_ =	shalt  }
0x71: {  	_ =	shalt  }
0x72: {  	_ =	shalt  }
0x73: {  	_ =	shalt  }
0x74: {  	_ =	shalt  }
0x75: {  	_ =	shalt  }
0x76: {  	_ =	shalt  }
0x77: {  	_ =	shalt  }
0x78: {  	_ =	shalt  }
0x79: {  	_ =	shalt  }
0x7a: {  	_ =	shalt  }
0x7b: {  	_ =	shalt  }
0x7c: {  	_ =	shalt  }
0x7d: {  	_ =	shalt  }
0x7e: {  	_ =	shalt  }
0x7f: {  	_ =	shalt  }
0x80: {  	_ =	shalt  }
0x81: {  	_ =	shalt  }
0x82: {  	_ =	shalt  }
0x83: {  	_ =	shalt  }
0x84: {  	_ =	shalt  }
0x85: {  	_ =	shalt  }
0x86: {  	_ =	shalt  }
0x87: {  	_ =	shalt  }
.Lfunc_end0:
.L_simem_size_0:
called_computation.2_lowered:
.L_overlay_start_0:
0x88: {  	s2 =	sld [smem:$0x3FD9]  }
0x89: {  	s3 =	sld [smem:$0x3FFE];
	_ =	sdelay $0x1  }
0x8a: {  	s1 =	srdreg.scid  }
0x8b: {  	s0 =	sand.u32 $0x1, s1  }
0x8c: {  	s14 =	sshll.u32 s0, $0xA;
	s2 =	sadd.s32 s3, s2  }
0x8d: {  	s2 =	sadd.s32 s2, s14  }
0x8e: {  	[smem:$0x3FC0] =	sst s2  }
0x8f: {  	_ = 	snop  }
0x90: {  	s2 =	sld [smem:$0x3FD0];
	_ =	sdelay $0x2  }
0x91: {  	s15 =	simm.s32 $0xA;
	s4 =	simm.s32 $0x10  }
0x92: {  	[smem:s4], [sflag:s15] =	dma.local [hbm:s2], $0x1  }
0x93: {  	_ =	swait.eq [sflag:s15], $0x1  }
0x94: {  	[sflag:s15] =	ssyncset.done $0x0  }
0x95: {  	s16 =	sld [smem:$0x10];
	[sflag:s15] =	ssyncadd.s32 $0xFFFFFFFF  }
0x96: {  	s17 =	sld [smem:$0x11];
	(tm) =	ssettm $0x1  }
0x97: {  	s18 =	sld [smem:$0x3FFB];
	_ =	sdelay $0x3  }
0x98: {  	_ =	strace s18  }
0x99: {  	s4 =	sld [smem:$0x3FFC];
	_ =	sdelay $0x3  }
0x9a: {  	_ =	strace s4  }
0x9b: {  	s4 =	sld [smem:$0x3FFD];
	_ =	sdelay $0x3  }
0x9c: {  	_ =	strace s4  }
0x9d: {  	_ =	strace $0x8FFFFFFF  }
0x9e: {  	s19 =	sld [smem:$0x3FDB];
	_ =	sdelay $0x1  }
0x9f: {  	s5 =	simm.s32 $_scs_section_size  }
0xa0: {  	s6 =	simm.s32 $_size__tile_overlayer_lowered;
	s7 =	simm.s32 $_tile_overlayer_lowered  }
0xa1: {  	s22 =	simm.s32 $0x1BFF;
	s21 =	sshll.u32 s7, $0x1;
	s4 =	sadd.s32 s5, s19  }
0xa2: {  	s8 =	simm.s32 $0x0;
	s20 =	sshll.u32 s6, $0x1;
	s6 =	sadd.s32 s21, s4  }
0xa3: {  	[timem:s8], [sflag:s22] =	dma.local [hbm:s6], s20  }
0xa4: {  	_ =	swait.ge [sflag:s22], s20  }
0xa5: {  	s5 =	ssub.s32 $0x0, s20;
	[sflag:s22] =	ssyncset.done $0x0  }
0xa6: {  	[sflag:s22] =	ssyncadd.s32 s5;
	_ =	sdelay $0x1  }
0xa7: {  	s23 =	simm.s32 $0x1B8B  }
0xa8: {  	_ =	swait.ge [sflag:s23], $0x1  }
0xa9: {  	[sflag:s23] =	ssyncset.done $0x0  }
0xaa: {  	s25 =	simm.s32 $0x1B8E;
	s24 =	sld [smem:$0x3FFE];
	[sflag:s23] =	ssyncadd.s32 $0xFFFFFFFF  }
0xab: {  	s26 =	simm.s32 $execute0_lowered;
	[smem:$0x3FD2] =	sst s25  }
0xac: {  	s6 =	sshll.u32 s26, $0x1;
	_ =	strace $0x8000004C;
	[dreg:$0x1] =	wrdreg $0xFFFFFFFF  }
0xad: {  	s28 =	simm.s32 $_size_execute0_lowered;
	s4 =	sadd.s32 s4, s6;
	[dreg:$0x0] =	wrdreg $0x0  }
0xae: {  	s6 =	sshll.u32 s28, $0x1;
	[dreg:$0x2] =	wrdreg s4  }
0xaf: {  	[dreg:$0x3] =	wrdreg s6  }
0xb0: {  	[dreg:$0x4] =	wrdreg $0xC0  }
0xb1: {  	_ =	task [dreg:s8], $0x5FFFF  }
0xb2: {  	[dreg:$0x1] =	wrdreg $0xFFFFFFFF  }
0xb3: {  	[dreg:$0x0] =	wrdreg $0x60  }
0xb4: {  	[dreg:$0x2] =	wrdreg s24  }
0xb5: {  	[dreg:$0x3] =	wrdreg s17  }
0xb6: {  	[dreg:$0x4] =	wrdreg s16  }
0xb7: {  	[dreg:$0x5] =	wrdreg $0x0  }
0xb8: {  	[dreg:$0x6] =	wrdreg $0x9  }
0xb9: {  	_ =	task.clear_ibuf [dreg:s8], $0x7FFFF;
	_ =	strace $0x9000004C  }
0xba: {  	s29 =	simm.s32 $0x9;
	_ =	strace $0x8000004E  }
0xbb: {  	_ =	swait.ge [sflag:s29], $0x1  }
0xbc: {  	[sflag:s29] =	ssyncadd.s32 $0xFFFFFFFF  }
0xbd: {  	_ =	strace $0x9000004E  }
0xbe: {  	_ =	sfence  }
0xbf: {  	s30 =	sld [smem:$0x0];
	_ =	sdelay $0x2  }
0xc0: {  	s31 =	sshll.u32 s1, $0xD;
	s1 =	sshrl.u32 s1, $0x2  }
0xc1: {  	s3 =	sand.u32 $0x4000, s31;
	s1 =	sadd.s32 s1, s30  }
0xc2: {  	s0 =	sor.u32 s3, s0;
	s1 =	sshll.u32 s1, $0x11  }
0xc3: {  	s0 =	sor.u32 s1, s0  }
0xc4: {  	s0 =	sadd.s32 $0x8F2B, s0  }
0xc5: {  	[sflag:s0] =	ssyncadd.remote.s32 $0x1  }
0xc6: {  	_ =	sfence.sel $0xFFFF  }
0xc7: {  	[dreg:$0x0] =	wrdreg $0xFFFFFFFF;
	(pc) =	sbr.abs _section_cstart, $3  }
0xc8: {  	[dreg:$0x1] =	wrdreg $0xFFFFFFFF  }
0xc9: {  	_ =	task.clear_ibuf [dreg:s8], $0x2FFFF;
	_ =	strace $0x9FFFFFFF  }
0xca: {  	(tm) =	ssettm $0x7FFFFFFF  }
0xcb: {  	_ =	shalt  }
tec
execute0_lowered:
.L_overlay_start_1:
0x0: {  	(tag) =	ssettag $0x1  }
0x1: {  	s7 =	rddreg [dreg:$0x0]  }
0x2: {  	s2 =	rddreg [dreg:$0x1]  }
0x3: {  	s3 =	rddreg [dreg:$0x2]  }
0x4: {  	s4 =	rddreg [dreg:$0x3];
	s0 =	stileid.u32  }
0x5: {  	s6 =	srdreg.scid;
	s1 =	rddreg [dreg:$0x4]  }
0x6: {  	s5 =	simm.s32 $0x0;
	s14 =	simm.s32 $0x14900;
	s15 =	simm.s32 $0x80  }
0x7: {  	s16 =	simm.s32 $0x15900;
	s17 =	simm.s32 $0x19900;
	s18 =	simm.s32 $0x1  }
0x8: {  	s19 =	simm.s32 $0x2;
	s20 =	simm.s32 $0x14880;
	s8 =	smul.u32 $0x278, s0  }
0x9: {  	s21 =	simm.s32 $0x15800;
	s22 =	simm.s32 $0x15880;
	s9 =	sand.u32 $0x1, s6  }
0xa: {  	[smem:$0x7FF] =	sst s5;
	s10 =	smul.u32 $0x138800, s9;
	s8 =	smin.u32 s8, $0x2498  }
0xb: {  	s6 =	sadd.s32 $0x50200, s7;
	s13 =	smul.u32 $0x5000, s0;
	s8 =	sshll.u32 s8, $0x7  }
0xc: {  	_ =	strace $0x8000004D;
	s11 =	ssub.s32 $0x2, s9;
	s10 =	sadd.s32 s10, s8  }
0xd: {  	s9 =	smul.u32 $0x50000, s9;
	s12 =	sshrl.u32 s11, $0x1;
	s10 =	sshrl.u32 s10, $0x3  }
0xe: {  	s11 =	ssub.s32 s11, s12;
	s12 =	simm.s32 $0x3;
	s10 =	sadd.s32 s10, s7  }
0xf: {  	s7 =	sadd.s32 s8, s4;
	s8 =	sadd.s32 s13, s9;
	s13 =	simm.s32 $0x13900  }
0x10: {  	v0 =	vimm.f32 $0.0e+00;
	s9 =	sadd.s32 $0x9E400, s10;
	s10 =	smax.u32 s11, $0x1;
	s11 =	simm.s32 $0x1D900  }
.LBB2_1:
0x11: {  	[tilespmem:$0x1D900] =	vst v0  }
0x12: {  	[tilespmem:$0x1D910] =	vst v0  }
0x13: {  	[tilespmem:$0x1D920] =	vst v0  }
0x14: {  	[tilespmem:$0x1D930] =	vst v0  }
0x15: {  	[tilespmem:$0x1D940] =	vst v0  }
0x16: {  	[tilespmem:$0x1D950] =	vst v0  }
0x17: {  	[tilespmem:$0x1D960] =	vst v0  }
0x18: {  	[tilespmem:$0x1D970] =	vst v0  }
0x19: {  	[tilespmem:$0x1D980] =	vst v0  }
0x1a: {  	[tilespmem:$0x1D990] =	vst v0  }
0x1b: {  	[tilespmem:$0x1D9A0] =	vst v0  }
0x1c: {  	[tilespmem:$0x1D9B0] =	vst v0  }
0x1d: {  	[tilespmem:$0x1D9C0] =	vst v0  }
0x1e: {  	[tilespmem:$0x1D9D0] =	vst v0  }
0x1f: {  	[tilespmem:$0x1D9E0] =	vst v0  }
0x20: {  	[tilespmem:$0x1D9F0] =	vst v0  }
0x21: {  	[tilespmem:$0x1DA00] =	vst v0  }
0x22: {  	[tilespmem:$0x1DA10] =	vst v0  }
0x23: {  	[tilespmem:$0x1DA20] =	vst v0  }
0x24: {  	[tilespmem:$0x1DA30] =	vst v0  }
0x25: {  	[tilespmem:$0x1DA40] =	vst v0  }
0x26: {  	[tilespmem:$0x1DA50] =	vst v0  }
0x27: {  	[tilespmem:$0x1DA60] =	vst v0  }
0x28: {  	[tilespmem:$0x1DA70] =	vst v0  }
0x29: {  	[tilespmem:$0x1DA80] =	vst v0  }
0x2a: {  	[tilespmem:$0x1DA90] =	vst v0  }
0x2b: {  	[tilespmem:$0x1DAA0] =	vst v0  }
0x2c: {  	[tilespmem:$0x1DAB0] =	vst v0  }
0x2d: {  	[tilespmem:$0x1DAC0] =	vst v0  }
0x2e: {  	[tilespmem:$0x1DAD0] =	vst v0  }
0x2f: {  	[tilespmem:$0x1DAE0] =	vst v0  }
0x30: {  	[tilespmem:$0x1DAF0] =	vst v0  }
0x31: {  	[tilespmem:$0x1DB00] =	vst v0  }
0x32: {  	[tilespmem:$0x1DB10] =	vst v0  }
0x33: {  	[tilespmem:$0x1DB20] =	vst v0  }
0x34: {  	[tilespmem:$0x1DB30] =	vst v0  }
0x35: {  	[tilespmem:$0x1DB40] =	vst v0  }
0x36: {  	[tilespmem:$0x1DB50] =	vst v0  }
0x37: {  	[tilespmem:$0x1DB60] =	vst v0  }
0x38: {  	[tilespmem:$0x1DB70] =	vst v0  }
0x39: {  	[tilespmem:$0x1DB80] =	vst v0  }
0x3a: {  	[tilespmem:$0x1DB90] =	vst v0  }
0x3b: {  	[tilespmem:$0x1DBA0] =	vst v0  }
0x3c: {  	[tilespmem:$0x1DBB0] =	vst v0  }
0x3d: {  	[tilespmem:$0x1DBC0] =	vst v0  }
0x3e: {  	[tilespmem:$0x1DBD0] =	vst v0  }
0x3f: {  	[tilespmem:$0x1DBE0] =	vst v0  }
0x40: {  	[tilespmem:$0x1DBF0] =	vst v0  }
0x41: {  	[tilespmem:$0x1DC00] =	vst v0  }
0x42: {  	[tilespmem:$0x1DC10] =	vst v0  }
0x43: {  	[tilespmem:$0x1DC20] =	vst v0  }
0x44: {  	[tilespmem:$0x1DC30] =	vst v0  }
0x45: {  	[tilespmem:$0x1DC40] =	vst v0  }
0x46: {  	[tilespmem:$0x1DC50] =	vst v0  }
0x47: {  	[tilespmem:$0x1DC60] =	vst v0  }
0x48: {  	[tilespmem:$0x1DC70] =	vst v0  }
0x49: {  	[tilespmem:$0x1DC80] =	vst v0  }
0x4a: {  	[tilespmem:$0x1DC90] =	vst v0  }
0x4b: {  	[tilespmem:$0x1DCA0] =	vst v0  }
0x4c: {  	[tilespmem:$0x1DCB0] =	vst v0  }
0x4d: {  	[tilespmem:$0x1DCC0] =	vst v0  }
0x4e: {  	[tilespmem:$0x1DCD0] =	vst v0  }
0x4f: {  	[tilespmem:$0x1DCE0] =	vst v0  }
0x50: {  	[tilespmem:$0x1DCF0] =	vst v0;
	s23 =	sadd.s32 $0x0, s7  }
0x51: {  	[spmem:s23] =	stream.linear.scatter [tilespmem:s11], [sflag:$0x3], $0x400, $0x38;
	[tilespmem:$0x1DD00] =	vst v63  }
0x52: {  	s23 =	simm.s32 $0x1000;
	_ =	swait.ge [sflag:s12], $0x400  }
.LBB2_2:
0x53: {  	s24 =	sshra.s32 s23, $0x2;
	[sflag:s12] =	ssyncset.done $0x0;
	p0 =	sne.s32 s23, $0x4E000  }
.Ltmp0:
0x54: {  	s24 =	sadd.s32 s24, s7;
	[sflag:s12] =	ssyncadd.s32 $0xFFFFFC00;
	(pc) =	sbr.rel @p0 .LBB2_2-.Ltmp0, $3  }
0x55: {  	[spmem:s24] =	stream.linear.scatter [tilespmem:s11], [sflag:$0x3], $0x400, $0x38;
	[tilespmem:$0x1DD00] =	vst v63  }
0x56: {  	s23 =	sadd.s32 $0x1000, s23;
	_ =	sdelay $0x1  }
0x57: {  	_ =	swait.ge [sflag:s12], $0x400  }
0x58: {  	[sflag:s12] =	ssyncset.done $0x0  }
0x59: {  	[sflag:s12] =	ssyncadd.s32 $0xFFFFFC00  }
0x5a: {  	s23 =	simm.s32 $0x0;
	s24 =	simm.s32 $0x0;
	[bflag:$0x0] =	sbarrier.arrive $0xFFFF  }
.LBB2_4:
0x5b: {  	s25 =	sshll.u32 s24, $0xC  }
0x5c: {  	s25 =	sadd.s32 s25, s8  }
0x5d: {  	s25 =	sshrl.u32 s25, $0x3  }
0x5e: {  	s26 =	sadd.s32 s2, s25  }
0x5f: {  	[tilespmem:s13], [sflag:$0x3] =	stream.linear.gather [hbm4b:s26+s23], $0x1000, $0x38;
	[tilespmem:$0x1DD00] =	vst v63  }
0x60: {  	_ =	swait.ge [sflag:s12], $0x1000  }
0x61: {  	[sflag:s12] =	ssyncset.done $0x0  }
0x62: {  	s25 =	sadd.s32 s3, s25;
	[sflag:s12] =	ssyncadd.s32 $0xFFFFF000  }
0x63: {  	[tilespmem:s14], [sflag:$0x3] =	stream.linear.gather [hbm4b:s25+s23], $0x1000, $0x38;
	[tilespmem:$0x1DD00] =	vst v63  }
0x64: {  	_ =	swait.ge [sflag:s12], $0x1000  }
0x65: {  	[sflag:s12] =	ssyncset.done $0x0  }
0x66: {  	[sflag:s12] =	ssyncadd.s32 $0xFFFFF000  }
0x67: {  	[tilespmem:s16], [sflag:$0x1] =	stream.indirect.gather [hbm4b:s6+s15], $0x80, s13, s15, $0xb8;
	[tilespmem:$0x1DD00] =	vst v63  }
0x68: {  	s28 =	simm.s32 $0x13980  }
0x69: {  	[tilespmem:s17], [sflag:$0x2] =	stream.indirect.gather [hbm4b:s6+s15], $0x80, s28, s15, $0xb8;
	[tilespmem:$0x1DD00] =	vst v63  }
0x6a: {  	_ =	swait.ge [sflag:s18], $0x4000  }
0x6b: {  	[sflag:s18] =	ssyncset.done $0x0  }
0x6c: {  	s29 =	simm.s32 $0x14900;
	[sflag:s18] =	ssyncadd.s32 $0xFFFFC000  }
0x6d: {  	[spmem:s4] =	stream.indirect.scatter.add.f32 [tilespmem:s16], [sflag:$0x3], $0x80, s29, s15, $0xb8;
	[tilespmem:$0x1DD00] =	vst v63  }
0x6e: {  	_ =	swait.ge [sflag:s12], $0x4000  }
0x6f: {  	[sflag:s12] =	ssyncset.done $0x0  }
0x70: {  	s30 =	simm.s32 $0x13A00;
	[sflag:s12] =	ssyncadd.s32 $0xFFFFC000  }
0x71: {  	[tilespmem:s16], [sflag:$0x1] =	stream.indirect.gather [hbm4b:s6+s15], $0x80, s30, s15, $0xb8;
	[tilespmem:$0x1DD00] =	vst v63  }
0x72: {  	_ =	swait.ge [sflag:s19], $0x4000  }
0x73: {  	[sflag:s19] =	ssyncset.done $0x0  }
0x74: {  	s31 =	simm.s32 $0x14980;
	[sflag:s19] =	ssyncadd.s32 $0xFFFFC000  }
0x75: {  	[spmem:s4] =	stream.indirect.scatter.add.f32 [tilespmem:s17], [sflag:$0x3], $0x80, s31, s15, $0xb8;
	[tilespmem:$0x1DD00] =	vst v63  }
0x76: {  	_ =	swait.ge [sflag:s12], $0x4000  }
0x77: {  	s26 =	simm.s32 $0x800;
	s25 =	simm.s32 $0x100;
	[sflag:s12] =	ssyncset.done $0x0  }
.LBB2_5:
0x78: {  	s28 =	sadd.s32 $0x13980, s25  }
0x79: {  	[sflag:s12] =	ssyncadd.s32 $0xFFFFC000;
	s29 =	smov.u32 s26;
	s30 =	sadd.s32 $0x400, s26  }
0x7a: {  	[tilespmem:s17], [sflag:$0x2] =	stream.indirect.gather [hbm4b:s6+s15], $0x80, s28, s15, $0xb8;
	[tilespmem:$0x1DD00] =	vst v63  }
0x7b: {  	p0 =	sne.s32 s26, $0x3800;
	_ =	swait.ge [sflag:s18], $0x4000  }
0x7c: {  	[sflag:s18] =	ssyncset.done $0x0  }
0x7d: {  	s26 =	sadd.s32 $0x14900, s25;
	[sflag:s18] =	ssyncadd.s32 $0xFFFFC000  }
0x7e: {  	[spmem:s4] =	stream.indirect.scatter.add.f32 [tilespmem:s16], [sflag:$0x3], $0x80, s26, s15, $0xb8;
	[tilespmem:$0x1DD00] =	vst v63  }
0x7f: {  	_ =	swait.ge [sflag:s12], $0x4000  }
0x80: {  	[sflag:s12] =	ssyncset.done $0x0  }
0x81: {  	s26 =	sadd.s32 $0x13A00, s25;
	[sflag:s12] =	ssyncadd.s32 $0xFFFFC000  }
0x82: {  	[tilespmem:s16], [sflag:$0x1] =	stream.indirect.gather [hbm4b:s6+s15], $0x80, s26, s15, $0xb8;
	[tilespmem:$0x1DD00] =	vst v63  }
0x83: {  	_ =	swait.ge [sflag:s19], $0x4000  }
.Ltmp1:
0x84: {  	[sflag:s19] =	ssyncset.done $0x0;
	(pc) =	sbr.rel @p0 .LBB2_5-.Ltmp1, $4  }
0x85: {  	s25 =	sadd.s32 $0x14980, s25;
	[sflag:s19] =	ssyncadd.s32 $0xFFFFC000  }
0x86: {  	[spmem:s4] =	stream.indirect.scatter.add.f32 [tilespmem:s17], [sflag:$0x3], $0x80, s25, s15, $0xb8;
	[tilespmem:$0x1DD00] =	vst v63  }
0x87: {  	_ =	swait.ge [sflag:s12], $0x4000  }
0x88: {  	s26 =	smov.u32 s30;
	s25 =	sshra.s32 s29, $0x2;
	[sflag:s12] =	ssyncset.done $0x0  }
0x89: {  	s26 =	sadd.s32 $0x13980, s25;
	[sflag:s12] =	ssyncadd.s32 $0xFFFFC000  }
0x8a: {  	[tilespmem:s17], [sflag:$0x2] =	stream.indirect.gather [hbm4b:s6+s15], $0x80, s26, s15, $0xb8;
	[tilespmem:$0x1DD00] =	vst v63  }
0x8b: {  	_ =	swait.ge [sflag:s18], $0x4000  }
0x8c: {  	[sflag:s18] =	ssyncset.done $0x0  }
0x8d: {  	s29 =	sadd.s32 $0x14900, s25;
	[sflag:s18] =	ssyncadd.s32 $0xFFFFC000  }
0x8e: {  	[spmem:s4] =	stream.indirect.scatter.add.f32 [tilespmem:s16], [sflag:$0x3], $0x80, s29, s15, $0xb8;
	[tilespmem:$0x1DD00] =	vst v63  }
0x8f: {  	_ =	swait.ge [sflag:s12], $0x4000  }
0x90: {  	[sflag:s12] =	ssyncset.done $0x0  }
0x91: {  	s30 =	sadd.s32 $0x13A00, s25;
	[sflag:s12] =	ssyncadd.s32 $0xFFFFC000  }
0x92: {  	[tilespmem:s16], [sflag:$0x1] =	stream.indirect.gather [hbm4b:s6+s15], $0x80, s30, s15, $0xb8;
	[tilespmem:$0x1DD00] =	vst v63  }
0x93: {  	_ =	swait.ge [sflag:s19], $0x4000  }
0x94: {  	[sflag:s19] =	ssyncset.done $0x0  }
0x95: {  	s31 =	sadd.s32 $0x14980, s25;
	[sflag:s19] =	ssyncadd.s32 $0xFFFFC000  }
0x96: {  	[spmem:s4] =	stream.indirect.scatter.add.f32 [tilespmem:s17], [sflag:$0x3], $0x80, s31, s15, $0xb8;
	[tilespmem:$0x1DD00] =	vst v63  }
0x97: {  	_ =	swait.ge [sflag:s12], $0x4000  }
0x98: {  	[sflag:s12] =	ssyncset.done $0x0  }
0x99: {  	[sflag:s12] =	ssyncadd.s32 $0xFFFFC000  }
0x9a: {  	[tilespmem:s17], [sflag:$0x2] =	stream.indirect.gather [hbm4b:s6+s15], $0x80, s20, s15, $0xb8;
	[tilespmem:$0x1DD00] =	vst v63  }
0x9b: {  	_ =	swait.ge [sflag:s18], $0x4000  }
0x9c: {  	[sflag:s18] =	ssyncset.done $0x0  }
0x9d: {  	[sflag:s18] =	ssyncadd.s32 $0xFFFFC000  }
0x9e: {  	[spmem:s4] =	stream.indirect.scatter.add.f32 [tilespmem:s16], [sflag:$0x3], $0x80, s21, s15, $0xb8;
	[tilespmem:$0x1DD00] =	vst v63  }
0x9f: {  	_ =	swait.ge [sflag:s12], $0x4000  }
0xa0: {  	[sflag:s12] =	ssyncset.done $0x0  }
0xa1: {  	[sflag:s12] =	ssyncadd.s32 $0xFFFFC000  }
0xa2: {  	[tilespmem:s16], [sflag:$0x1] =	stream.indirect.gather [hbm4b:s6+s15], $0x80, s20, s15, $0xb8;
	[tilespmem:$0x1DD00] =	vst v63  }
0xa3: {  	_ =	swait.ge [sflag:s19], $0x4000  }
0xa4: {  	[sflag:s19] =	ssyncset.done $0x0  }
0xa5: {  	s24 =	sadd.s32 $0x1, s24;
	[sflag:s19] =	ssyncadd.s32 $0xFFFFC000  }
0xa6: {  	[spmem:s4] =	stream.indirect.scatter.add.f32 [tilespmem:s17], [sflag:$0x3], $0x80, s22, s15, $0xb8;
	[tilespmem:$0x1DD00] =	vst v63  }
0xa7: {  	p0 =	sne.s32 s24, $0x5;
	_ =	swait.ge [sflag:s12], $0x4000  }
.Ltmp2:
0xa8: {  	[sflag:s12] =	ssyncset.done $0x0;
	(pc) =	sbr.rel @p0 .LBB2_4-.Ltmp2, $4  }
0xa9: {  	[sflag:s12] =	ssyncadd.s32 $0xFFFFC000  }
0xaa: {  	_ =	swait.ge [sflag:s18], $0x4000  }
0xab: {  	[sflag:s18] =	ssyncset.done $0x0  }
0xac: {  	[sflag:s18] =	ssyncadd.s32 $0xFFFFC000  }
0xad: {  	s5 =	sadd.s32 $0x1, s5  }
0xae: {  	s23 =	sshll.u32 s0, $0x6;
	[bflag:$0x0] =	sbarrier.arrive $0xFFFF;
	p0 =	sne.s32 s5, s10  }
.Ltmp3:
0xaf: {  	s24 =	sshrl.u32 s7, $0x3;
	s23 =	sor.u32 $0x1C03, s23;
	(pc) =	sbr.rel @p0 .LBB2_1-.Ltmp3, $4  }
0xb0: {  	[hbm:s9], [sflag:s23] =	dma.local [spmem:s24], $0x2780  }
0xb1: {  	_ =	swait.ge [sflag:s12], $0x2780  }
0xb2: {  	[sflag:s12] =	ssyncset.done $0x0  }
0xb3: {  	[sflag:s12] =	ssyncadd.s32 $0xFFFFD880  }
0xb4: {  	_ =	sfence.sel $0x180000  }
0xb5: {  	[bflag:$0x0] =	sbarrier.arrive $0xFFFF  }
0xb6: {  	p0 =	sne.s32 s0, $0x0;
	_ =	strace $0x9000004D  }
0xb7: {  	s0 =	sadd.s32 @!p0 $0x100000, s1;
	[bflag:$0x2] =	sbarrier.arrive $0xFFFF  }
0xb8: {  	[sflag:s0] =	ssyncadd.tile.s32 @!p0 $0x1;
	_ =	shalt  }
.Lfunc_end2:
_tile_overlayer_lowered:
.L_overlay_start_2:
0xb9: {  	(tag) =	ssettag $0x2  }
0xba: {  	s0 =	rddreg [dreg:$0x0];
	s2 =	stileid.u32  }
0xbb: {  	s1 =	rddreg [dreg:$0x1];
	p0 =	sne.s32 s2, $0x0  }
0xbc: {  	s3 =	rddreg [dreg:$0x2];
	[bflag:$0x3] =	sbarrier.arrive $0xFFFF;
	s2 =	simm.s32 @!p0 $0x1C03  }
0xbd: {  	[timem:s3], [sflag:s2] =	dma.local @!p0 [hbm:s0], s1  }
0xbe: {  	s0 =	simm.s32 @!p0 $0x3  }
0xbf: {  	_ =	swait.ge @!p0 [sflag:s0], s1  }
0xc0: {  	s1 =	ssub.s32 @!p0 $0x0, s1;
	[sflag:s0] =	ssyncset.done @!p0 $0x0  }
0xc1: {  	[sflag:s0] =	ssyncadd.s32 @!p0 s1  }
0xc2: {  	[bflag:$0x3] =	sbarrier.arrive $0xFFFF  }
0xc3: {  	_ =	shalt  }

// kernel: kernel.9.cloned.1.call-start
scs
__scs_entry_jumppad:
0x0: {  	(pc) =	sbr.rel $0x88, $3  }
0x1: {  	(tag) =	ssettag $0x0;
	lr =	simm.s32 $0x1  }
0x2: {  	[smem:$0x3F99] =	sst lr;
	_ =	strace $0xD0000000  }
0x3: {  	_ = 	snop  }
0x4: {  	_ = 	snop  }
0x5: {  	_ = 	snop  }
0x6: {  	_ = 	snop  }
0x7: {  	_ = 	snop  }
__scs_overlays_trampoline_lowered:
0x8: {  	[smem:$0x3FA8] =	sst s0  }
0x9: {  	[smem:$0x3FA9] =	sst s1  }
0xa: {  	[smem:$0x3FAA] =	sst s2  }
0xb: {  	[smem:$0x3FAB] =	sst s3  }
0xc: {  	[smem:$0x3FAC] =	sst s4  }
0xd: {  	[smem:$0x3FAD] =	sst s5  }
0xe: {  	[smem:$0x3FAE] =	sst s6  }
0xf: {  	[smem:$0x3FAF] =	sst s7  }
0x10: {  	[smem:$0x3FB0] =	sst s8  }
0x11: {  	[smem:$0x3FB1] =	sst s9;
	s0 =	simm.s32 @!p0 $0x0  }
0x12: {  	s1 =	sld [smem:$0x3F97];
	s0 =	simm.s32 @p0 $0x1  }
0x13: {  	[smem:$0x3FB2] =	sst s0;
	s0 =	simm.s32 @!p1 $0x0  }
0x14: {  	s2 =	sld [smem:$0x3F96];
	s0 =	simm.s32 @p1 $0x1  }
0x15: {  	[smem:$0x3FB3] =	sst s0;
	s0 =	simm.s32 @!p2 $0x0  }
0x16: {  	s3 =	sld [smem:$0x3FDB];
	s0 =	simm.s32 @p2 $0x1  }
0x17: {  	s4 =	simm.s32 $0x1BF5;
	[smem:$0x3FB5] =	sst s0  }
0x18: {  	s0 =	sld [smem:$0x3F98];
	_ =	swait.ge [sflag:s4], $0x0  }
0x19: {  	s7 =	sld [smem:$0x3F99]  }
0x1a: {  	s8 =	sadd.s32 $0xFFFFE003, lr  }
0x1b: {  	s9 =	sadd.s32 $0xFFFFFEF7, lr;
	s5 =	simm.s32 $0xFFFFFFFF;
	p2 =	slt.u32 s8, $0xFFFFF086  }
0x1c: {  	p1 =	slt.u32 s9, $0xF7A;
	s5 =	simm.s32 @!p2 $0x0  }
0x1d: {  	s5 =	simm.s32 @p1 $0x1;
	p0 =	seq.s32 s7, s2  }
0x1e: {  	s7 =	smul.u32 @!p0 $0xF7A, s2;
	p2 =	seq.s32 @!p0 s5, $0x0  }
0x1f: {  	s9 =	smul.u32 $0xF7A, s1;
	s8 =	simm.s32 @!p0 $0x1BF5;
	p2 =	por !p2, p0  }
0x20: {  	[sflag:s8] =	ssyncset.s32 @!p0 $0xFFFFF086;
	s6 =	sadd.s32 @!p0 s3, s7;
	s7 =	simm.s32 @!p0 $0x108  }
0x21: {  	s3 =	sadd.s32 s3, s9;
	s6 =	sadd.s32 @!p0 $0x88, s6;
	s7 =	simm.s32 @p2 $0x1082  }
0x22: {  	[simem:s7], [sflag:s8] =	dma.local @!p0 [hbm:s6], $0xF7A  }
0x23: {  	s9 =	sor.u32 $0xD0000000, s2;
	s6 =	simm.s32 $0x108;
	_ =	swait.ge @!p0 [sflag:s8], $0x0  }
0x24: {  	s3 =	sadd.s32 $0x88, s3;
	s6 =	simm.s32 @!p1 $0x1082;
	[sflag:s4] =	ssyncset.s32 $0xFFFFF086  }
0x25: {  	[simem:s6], [sflag:s4] =	dma.local [hbm:s3], $0xF7A  }
0x26: {  	[smem:$0x3F99] =	sst s1;
	(tag) =	ssettag s2;
	_ =	strace s9  }
0x27: {  	s1 =	sld [smem:$0x3FA9]  }
0x28: {  	s2 =	sld [smem:$0x3FAA]  }
0x29: {  	s4 =	sld [smem:$0x3FAC]  }
0x2a: {  	p0 =	seq.s32 s5, $0x0;
	s5 =	sld [smem:$0x3FAD]  }
0x2b: {  	s6 =	sld [smem:$0x3FAE]  }
0x2c: {  	s7 =	sld [smem:$0x3FAF]  }
0x2d: {  	s3 =	simm.s32 $0x108;
	s8 =	sld [smem:$0x3FB0]  }
0x2e: {  	s3 =	simm.s32 @!p0 $0x1082;
	s9 =	sld [smem:$0x3FB1]  }
0x2f: {  	lr =	sadd.s32 s0, s3;
	s0 =	sld [smem:$0x3FA8]  }
0x30: {  	s3 =	sld [smem:$0x3FAB]  }
0x31: {  	[smem:$0x3FB4] =	sst s10  }
0x32: {  	s10 =	sld [smem:$0x3FB2];
	_ =	sdelay $0x3  }
0x33: {  	p0 =	seq.s32 s10, $0x1;
	s10 =	sld [smem:$0x3FB4];
	_ =	sdelay $0x3  }
0x34: {  	[smem:$0x3FB4] =	sst s10  }
0x35: {  	s10 =	sld [smem:$0x3FB3];
	_ =	sdelay $0x3  }
0x36: {  	p1 =	seq.s32 s10, $0x1;
	s10 =	sld [smem:$0x3FB4];
	_ =	sdelay $0x3  }
0x37: {  	[smem:$0x3FB4] =	sst s10  }
0x38: {  	s10 =	sld [smem:$0x3FB5]  }
0x39: {  	_ = 	snop;
	(pc) =	sbr.ind lr, $3  }
0x3a: {  	_ = 	snop  }
0x3b: {  	_ = 	snop  }
0x3c: {  	p2 =	seq.s32 s10, $0x1;
	s10 =	sld [smem:$0x3FB4]  }
0x3d: {  	_ =	shalt  }
0x3e: {  	_ =	shalt  }
0x3f: {  	_ =	shalt  }
0x40: {  	_ =	shalt  }
0x41: {  	_ =	shalt  }
0x42: {  	_ =	shalt  }
0x43: {  	_ =	shalt  }
0x44: {  	_ =	shalt  }
0x45: {  	_ =	shalt  }
0x46: {  	_ =	shalt  }
0x47: {  	_ =	shalt  }
0x48: {  	_ =	shalt  }
0x49: {  	_ =	shalt  }
0x4a: {  	_ =	shalt  }
0x4b: {  	_ =	shalt  }
0x4c: {  	_ =	shalt  }
0x4d: {  	_ =	shalt  }
0x4e: {  	_ =	shalt  }
0x4f: {  	_ =	shalt  }
0x50: {  	_ =	shalt  }
0x51: {  	_ =	shalt  }
0x52: {  	_ =	shalt  }
0x53: {  	_ =	shalt  }
0x54: {  	_ =	shalt  }
0x55: {  	_ =	shalt  }
0x56: {  	_ =	shalt  }
0x57: {  	_ =	shalt  }
0x58: {  	_ =	shalt  }
0x59: {  	_ =	shalt  }
0x5a: {  	_ =	shalt  }
0x5b: {  	_ =	shalt  }
0x5c: {  	_ =	shalt  }
0x5d: {  	_ =	shalt  }
0x5e: {  	_ =	shalt  }
0x5f: {  	_ =	shalt  }
0x60: {  	_ =	shalt  }
0x61: {  	_ =	shalt  }
0x62: {  	_ =	shalt  }
0x63: {  	_ =	shalt  }
0x64: {  	_ =	shalt  }
0x65: {  	_ =	shalt  }
0x66: {  	_ =	shalt  }
0x67: {  	_ =	shalt  }
0x68: {  	_ =	shalt  }
0x69: {  	_ =	shalt  }
0x6a: {  	_ =	shalt  }
0x6b: {  	_ =	shalt  }
0x6c: {  	_ =	shalt  }
0x6d: {  	_ =	shalt  }
0x6e: {  	_ =	shalt  }
0x6f: {  	_ =	shalt  }
0x70: {  	_ =	shalt  }
0x71: {  	_ =	shalt  }
0x72: {  	_ =	shalt  }
0x73: {  	_ =	shalt  }
0x74: {  	_ =	shalt  }
0x75: {  	_ =	shalt  }
0x76: {  	_ =	shalt  }
0x77: {  	_ =	shalt  }
0x78: {  	_ =	shalt  }
0x79: {  	_ =	shalt  }
0x7a: {  	_ =	shalt  }
0x7b: {  	_ =	shalt  }
0x7c: {  	_ =	shalt  }
0x7d: {  	_ =	shalt  }
0x7e: {  	_ =	shalt  }
0x7f: {  	_ =	shalt  }
0x80: {  	_ =	shalt  }
0x81: {  	_ =	shalt  }
0x82: {  	_ =	shalt  }
0x83: {  	_ =	shalt  }
0x84: {  	_ =	shalt  }
0x85: {  	_ =	shalt  }
0x86: {  	_ =	shalt  }
0x87: {  	_ =	shalt  }
.Lfunc_end0:
.L_simem_size_0:
called_computation_lowered:
.L_overlay_start_0:
0x88: {  	s2 =	sld [smem:$0x3FD9]  }
0x89: {  	s3 =	sld [smem:$0x3FFE];
	_ =	sdelay $0x1  }
0x8a: {  	s1 =	srdreg.scid  }
0x8b: {  	s0 =	sand.u32 $0x1, s1  }
0x8c: {  	s14 =	sshll.u32 s0, $0xA;
	s2 =	sadd.s32 s3, s2  }
0x8d: {  	s2 =	sadd.s32 s2, s14  }
0x8e: {  	[smem:$0x3FC0] =	sst s2  }
0x8f: {  	_ = 	snop  }
0x90: {  	s2 =	sld [smem:$0x3FD0];
	_ =	sdelay $0x2  }
0x91: {  	s15 =	simm.s32 $0xA;
	s4 =	simm.s32 $0x10  }
0x92: {  	[smem:s4], [sflag:s15] =	dma.local [hbm:s2], $0x1  }
0x93: {  	_ =	swait.eq [sflag:s15], $0x1  }
0x94: {  	[sflag:s15] =	ssyncset.done $0x0  }
0x95: {  	[sflag:s15] =	ssyncadd.s32 $0xFFFFFFFF  }
0x96: {  	s16 =	sld [smem:$0x10];
	(tm) =	ssettm $0x1  }
0x97: {  	s17 =	sld [smem:$0x3FFB];
	_ =	sdelay $0x3  }
0x98: {  	_ =	strace s17  }
0x99: {  	s3 =	sld [smem:$0x3FFC];
	_ =	sdelay $0x3  }
0x9a: {  	_ =	strace s3  }
0x9b: {  	s3 =	sld [smem:$0x3FFD];
	_ =	sdelay $0x3  }
0x9c: {  	_ =	strace s3  }
0x9d: {  	_ =	strace $0x8FFFFFFF  }
0x9e: {  	s18 =	sld [smem:$0x3FDB];
	_ =	sdelay $0x1  }
0x9f: {  	s19 =	simm.s32 $_scs_section_size  }
0xa0: {  	s5 =	simm.s32 $_size__tile_overlayer_lowered;
	s6 =	simm.s32 $_tile_overlayer_lowered  }
0xa1: {  	s22 =	simm.s32 $0x1BFF;
	s21 =	sshll.u32 s6, $0x1;
	s3 =	sadd.s32 s19, s18  }
0xa2: {  	s7 =	simm.s32 $0x0;
	s20 =	sshll.u32 s5, $0x1;
	s5 =	sadd.s32 s21, s3  }
0xa3: {  	[timem:s7], [sflag:s22] =	dma.local [hbm:s5], s20  }
0xa4: {  	_ =	swait.ge [sflag:s22], s20  }
0xa5: {  	s4 =	ssub.s32 $0x0, s20;
	[sflag:s22] =	ssyncset.done $0x0  }
0xa6: {  	[sflag:s22] =	ssyncadd.s32 s4;
	_ =	sdelay $0x1  }
0xa7: {  	s23 =	simm.s32 $0x1B8B  }
0xa8: {  	_ =	swait.ge [sflag:s23], $0x1  }
0xa9: {  	[sflag:s23] =	ssyncset.done $0x0  }
0xaa: {  	s25 =	simm.s32 $0x1B8E;
	s24 =	sld [smem:$0x3FFE];
	[sflag:s23] =	ssyncadd.s32 $0xFFFFFFFF  }
0xab: {  	s26 =	simm.s32 $execute0_lowered;
	[smem:$0x3FD2] =	sst s25  }
0xac: {  	s5 =	sshll.u32 s26, $0x1;
	_ =	strace $0x80000046;
	[dreg:$0x1] =	wrdreg $0xFFFFFFFF  }
0xad: {  	s28 =	simm.s32 $_size_execute0_lowered;
	s3 =	sadd.s32 s3, s5;
	[dreg:$0x0] =	wrdreg $0x0  }
0xae: {  	s5 =	sshll.u32 s28, $0x1;
	[dreg:$0x2] =	wrdreg s3  }
0xaf: {  	[dreg:$0x3] =	wrdreg s5  }
0xb0: {  	[dreg:$0x4] =	wrdreg $0xC0  }
0xb1: {  	_ =	task [dreg:s7], $0x5FFFF  }
0xb2: {  	[dreg:$0x1] =	wrdreg $0xFFFFFFFF  }
0xb3: {  	[dreg:$0x0] =	wrdreg $0x60  }
0xb4: {  	[dreg:$0x2] =	wrdreg s16  }
0xb5: {  	[dreg:$0x3] =	wrdreg s24  }
0xb6: {  	[dreg:$0x4] =	wrdreg $0x0  }
0xb7: {  	[dreg:$0x5] =	wrdreg $0x9  }
0xb8: {  	_ =	task.clear_ibuf [dreg:s7], $0x6FFFF;
	_ =	strace $0x90000046  }
0xb9: {  	s29 =	simm.s32 $0x9;
	_ =	strace $0x80000048  }
0xba: {  	_ =	swait.ge [sflag:s29], $0x1  }
0xbb: {  	[sflag:s29] =	ssyncadd.s32 $0xFFFFFFFF  }
0xbc: {  	_ =	strace $0x90000048  }
0xbd: {  	_ =	sfence  }
0xbe: {  	s30 =	sld [smem:$0x0];
	_ =	sdelay $0x2  }
0xbf: {  	s31 =	sshll.u32 s1, $0xD;
	s1 =	sshrl.u32 s1, $0x2  }
0xc0: {  	s3 =	sand.u32 $0x4000, s31;
	s1 =	sadd.s32 s1, s30  }
0xc1: {  	s0 =	sor.u32 s3, s0;
	s1 =	sshll.u32 s1, $0x11  }
0xc2: {  	s0 =	sor.u32 s1, s0  }
0xc3: {  	s0 =	sadd.s32 $0x8F2B, s0  }
0xc4: {  	[sflag:s0] =	ssyncadd.remote.s32 $0x1  }
0xc5: {  	_ =	sfence.sel $0xFFFF  }
0xc6: {  	[dreg:$0x0] =	wrdreg $0xFFFFFFFF;
	(pc) =	sbr.abs _section_cstart, $3  }
0xc7: {  	[dreg:$0x1] =	wrdreg $0xFFFFFFFF  }
0xc8: {  	_ =	task.clear_ibuf [dreg:s7], $0x2FFFF;
	_ =	strace $0x9FFFFFFF  }
0xc9: {  	(tm) =	ssettm $0x7FFFFFFF  }
tec
execute0_lowered:
.L_overlay_start_1:
0x0: {  	(tag) =	ssettag $0x1  }
0x1: {  	s7 =	rddreg [dreg:$0x0]  }
0x2: {  	s4 =	rddreg [dreg:$0x1]  }
0x3: {  	s0 =	stileid.u32;
	s1 =	srdreg.scid  }
0x4: {  	s2 =	rddreg [dreg:$0x2];
	s12 =	simm.s32 $0x18900;
	s3 =	smul.u32 $0x278, s0  }
0x5: {  	s13 =	simm.s32 $0x1;
	s5 =	sand.u32 $0x1, s1;
	s10 =	smul.u32 $0x5000, s0  }
0x6: {  	s14 =	simm.s32 $0x13900;
	s15 =	simm.s32 $0x80;
	s8 =	smul.u32 $0x138800, s5  }
0x7: {  	s16 =	simm.s32 $0x14900;
	s1 =	rddreg [dreg:$0x3];
	s9 =	smul.u32 $0x50000, s5  }
0x8: {  	s5 =	ssub.s32 $0x2, s5;
	s6 =	smin.u32 s3, $0x2498;
	s3 =	simm.s32 $0x0  }
0x9: {  	s30 =	sshrl.u32 s5, $0x1;
	s6 =	sshll.u32 s6, $0x7;
	[smem:$0x7FF] =	sst s3  }
0xa: {  	s9 =	sadd.s32 s10, s9;
	s31 =	ssub.s32 s5, s30;
	s8 =	sadd.s32 s8, s6  }
0xb: {  	_ =	strace $0x80000047;
	s9 =	sshrl.u32 s9, $0x3;
	s8 =	sshrl.u32 s8, $0x3  }
0xc: {  	s7 =	sadd.s32 s7, s9;
	s8 =	sadd.s32 s8, s4;
	s4 =	sadd.s32 s6, s2  }
0xd: {  	s6 =	smax.u32 s31, $0x1;
	s9 =	sadd.s32 $0x400, s7;
	s10 =	sadd.s32 $0x600, s7  }
0xe: {  	v0 =	vimm.f32 $0.0e+00;
	v1 =	vimm.f32 $1.000000000e+00;
	s11 =	sadd.s32 $0x800, s7;
	s5 =	sadd.s32 $0x2000, s8;
	s8 =	sadd.s32 $0x200, s7  }
.LBB2_1:
0xf: {  	[tilespmem:$0x18900] =	vst v0  }
0x10: {  	[tilespmem:$0x18910] =	vst v0  }
0x11: {  	[tilespmem:$0x18920] =	vst v0  }
0x12: {  	[tilespmem:$0x18930] =	vst v0  }
0x13: {  	[tilespmem:$0x18940] =	vst v0  }
0x14: {  	[tilespmem:$0x18950] =	vst v0  }
0x15: {  	[tilespmem:$0x18960] =	vst v0  }
0x16: {  	[tilespmem:$0x18970] =	vst v0  }
0x17: {  	[tilespmem:$0x18980] =	vst v0  }
0x18: {  	[tilespmem:$0x18990] =	vst v0  }
0x19: {  	[tilespmem:$0x189A0] =	vst v0  }
0x1a: {  	[tilespmem:$0x189B0] =	vst v0  }
0x1b: {  	[tilespmem:$0x189C0] =	vst v0  }
0x1c: {  	[tilespmem:$0x189D0] =	vst v0  }
0x1d: {  	[tilespmem:$0x189E0] =	vst v0  }
0x1e: {  	[tilespmem:$0x189F0] =	vst v0  }
0x1f: {  	[tilespmem:$0x18A00] =	vst v0  }
0x20: {  	[tilespmem:$0x18A10] =	vst v0  }
0x21: {  	[tilespmem:$0x18A20] =	vst v0  }
0x22: {  	[tilespmem:$0x18A30] =	vst v0  }
0x23: {  	[tilespmem:$0x18A40] =	vst v0  }
0x24: {  	[tilespmem:$0x18A50] =	vst v0  }
0x25: {  	[tilespmem:$0x18A60] =	vst v0  }
0x26: {  	[tilespmem:$0x18A70] =	vst v0  }
0x27: {  	[tilespmem:$0x18A80] =	vst v0  }
0x28: {  	[tilespmem:$0x18A90] =	vst v0  }
0x29: {  	[tilespmem:$0x18AA0] =	vst v0  }
0x2a: {  	[tilespmem:$0x18AB0] =	vst v0  }
0x2b: {  	[tilespmem:$0x18AC0] =	vst v0  }
0x2c: {  	[tilespmem:$0x18AD0] =	vst v0  }
0x2d: {  	[tilespmem:$0x18AE0] =	vst v0  }
0x2e: {  	[tilespmem:$0x18AF0] =	vst v0  }
0x2f: {  	[tilespmem:$0x18B00] =	vst v0  }
0x30: {  	[tilespmem:$0x18B10] =	vst v0  }
0x31: {  	[tilespmem:$0x18B20] =	vst v0  }
0x32: {  	[tilespmem:$0x18B30] =	vst v0  }
0x33: {  	[tilespmem:$0x18B40] =	vst v0  }
0x34: {  	[tilespmem:$0x18B50] =	vst v0  }
0x35: {  	[tilespmem:$0x18B60] =	vst v0  }
0x36: {  	[tilespmem:$0x18B70] =	vst v0  }
0x37: {  	[tilespmem:$0x18B80] =	vst v0  }
0x38: {  	[tilespmem:$0x18B90] =	vst v0  }
0x39: {  	[tilespmem:$0x18BA0] =	vst v0  }
0x3a: {  	[tilespmem:$0x18BB0] =	vst v0  }
0x3b: {  	[tilespmem:$0x18BC0] =	vst v0  }
0x3c: {  	[tilespmem:$0x18BD0] =	vst v0  }
0x3d: {  	[tilespmem:$0x18BE0] =	vst v0  }
0x3e: {  	[tilespmem:$0x18BF0] =	vst v0  }
0x3f: {  	[tilespmem:$0x18C00] =	vst v0  }
0x40: {  	[tilespmem:$0x18C10] =	vst v0  }
0x41: {  	[tilespmem:$0x18C20] =	vst v0  }
0x42: {  	[tilespmem:$0x18C30] =	vst v0  }
0x43: {  	[tilespmem:$0x18C40] =	vst v0  }
0x44: {  	[tilespmem:$0x18C50] =	vst v0  }
0x45: {  	[tilespmem:$0x18C60] =	vst v0  }
0x46: {  	[tilespmem:$0x18C70] =	vst v0  }
0x47: {  	[tilespmem:$0x18C80] =	vst v0  }
0x48: {  	[tilespmem:$0x18C90] =	vst v0  }
0x49: {  	[tilespmem:$0x18CA0] =	vst v0  }
0x4a: {  	[tilespmem:$0x18CB0] =	vst v0  }
0x4b: {  	[tilespmem:$0x18CC0] =	vst v0  }
0x4c: {  	[tilespmem:$0x18CD0] =	vst v0  }
0x4d: {  	[tilespmem:$0x18CE0] =	vst v0  }
0x4e: {  	[tilespmem:$0x18CF0] =	vst v0;
	s17 =	simm.s32 $0x0;
	s18 =	simm.s32 $0x200  }
.LBB2_2:
0x4f: {  	p0 =	sne.s32 s18, $0xFE00;
	[tilespmem:s17+$0x14970] =	vst v1  }
0x50: {  	[tilespmem:s17+$0x14900] =	vst v1  }
0x51: {  	[tilespmem:s17+$0x14910] =	vst v1  }
.Ltmp0:
0x52: {  	[tilespmem:s17+$0x14920] =	vst v1;
	(pc) =	sbr.rel @p0 .LBB2_2-.Ltmp0, $4  }
0x53: {  	[tilespmem:s17+$0x14930] =	vst v1  }
0x54: {  	[tilespmem:s17+$0x14940] =	vst v1  }
0x55: {  	[tilespmem:s17+$0x14950] =	vst v1  }
0x56: {  	[tilespmem:s17+$0x14960] =	vst v1;
	s17 =	sshra.s32 s18, $0x2;
	s18 =	sadd.s32 $0x200, s18  }
0x57: {  	[tilespmem:s17+$0x14970] =	vst v1  }
0x58: {  	[tilespmem:s17+$0x14900] =	vst v1  }
0x59: {  	[tilespmem:s17+$0x14910] =	vst v1  }
0x5a: {  	[tilespmem:s17+$0x14920] =	vst v1  }
0x5b: {  	[tilespmem:s17+$0x14930] =	vst v1  }
0x5c: {  	[tilespmem:s17+$0x14940] =	vst v1  }
0x5d: {  	[tilespmem:s17+$0x14950] =	vst v1  }
0x5e: {  	[tilespmem:s17+$0x14960] =	vst v1;
	s31 =	sadd.s32 $0x0, s4  }
0x5f: {  	[spmem:s31] =	stream.linear.scatter [tilespmem:s12], [sflag:$0x1], $0x400, $0x38;
	[tilespmem:$0x18D00] =	vst v63  }
0x60: {  	s17 =	simm.s32 $0x1000;
	_ =	swait.ge [sflag:s13], $0x400  }
.LBB2_4:
0x61: {  	s18 =	sshra.s32 s17, $0x2;
	[sflag:s13] =	ssyncset.done $0x0;
	p0 =	sne.s32 s17, $0x4E000  }
.Ltmp1:
0x62: {  	s18 =	sadd.s32 s18, s4;
	[sflag:s13] =	ssyncadd.s32 $0xFFFFFC00;
	(pc) =	sbr.rel @p0 .LBB2_4-.Ltmp1, $3  }
0x63: {  	[spmem:s18] =	stream.linear.scatter [tilespmem:s12], [sflag:$0x1], $0x400, $0x38;
	[tilespmem:$0x18D00] =	vst v63  }
0x64: {  	s17 =	sadd.s32 $0x1000, s17;
	_ =	sdelay $0x1  }
0x65: {  	_ =	swait.ge [sflag:s13], $0x400  }
0x66: {  	[sflag:s13] =	ssyncset.done $0x0  }
0x67: {  	[sflag:s13] =	ssyncadd.s32 $0xFFFFFC00  }
0x68: {  	s17 =	simm.s32 $0x0;
	[bflag:$0x0] =	sbarrier.arrive $0xFFFF  }
0x69: {  	[tilespmem:s14], [sflag:$0x1] =	stream.linear.gather [hbm4b:s7+s17], $0x1000, $0x38;
	[tilespmem:$0x18D00] =	vst v63  }
0x6a: {  	_ =	swait.ge [sflag:s13], $0x1000  }
0x6b: {  	[sflag:s13] =	ssyncset.done $0x0  }
0x6c: {  	s31 =	simm.s32 $0x13900;
	[sflag:s13] =	ssyncadd.s32 $0xFFFFF000  }
0x6d: {  	[spmem:s2] =	stream.indirect.scatter.add.f32 [tilespmem:s16], [sflag:$0x1], $0x80, s31, s15, $0xb8;
	[tilespmem:$0x18D00] =	vst v63  }
0x6e: {  	s17 =	simm.s32 $0x200;
	_ =	swait.ge [sflag:s13], $0x4000  }
.LBB2_6:
0x6f: {  	s18 =	sshra.s32 s17, $0x2;
	[sflag:s13] =	ssyncset.done $0x0;
	p0 =	sne.s32 s17, $0x3E00  }
.Ltmp2:
0x70: {  	s18 =	sadd.s32 $0x13900, s18;
	[sflag:s13] =	ssyncadd.s32 $0xFFFFC000;
	(pc) =	sbr.rel @p0 .LBB2_6-.Ltmp2, $3  }
0x71: {  	[spmem:s2] =	stream.indirect.scatter.add.f32 [tilespmem:s16], [sflag:$0x1], $0x80, s18, s15, $0xb8;
	[tilespmem:$0x18D00] =	vst v63  }
0x72: {  	s17 =	sadd.s32 $0x200, s17;
	_ =	sdelay $0x1  }
0x73: {  	_ =	swait.ge [sflag:s13], $0x4000  }
0x74: {  	[sflag:s13] =	ssyncset.done $0x0  }
0x75: {  	s17 =	simm.s32 $0x0;
	[sflag:s13] =	ssyncadd.s32 $0xFFFFC000  }
0x76: {  	[tilespmem:s14], [sflag:$0x1] =	stream.linear.gather [hbm4b:s8+s17], $0x1000, $0x38;
	[tilespmem:$0x18D00] =	vst v63  }
0x77: {  	_ =	swait.ge [sflag:s13], $0x1000  }
0x78: {  	[sflag:s13] =	ssyncset.done $0x0  }
0x79: {  	s31 =	simm.s32 $0x13900;
	[sflag:s13] =	ssyncadd.s32 $0xFFFFF000  }
0x7a: {  	[spmem:s2] =	stream.indirect.scatter.add.f32 [tilespmem:s16], [sflag:$0x1], $0x80, s31, s15, $0xb8;
	[tilespmem:$0x18D00] =	vst v63  }
0x7b: {  	s17 =	simm.s32 $0x200;
	_ =	swait.ge [sflag:s13], $0x4000  }
.LBB2_8:
0x7c: {  	s18 =	sshra.s32 s17, $0x2;
	[sflag:s13] =	ssyncset.done $0x0;
	p0 =	sne.s32 s17, $0x3E00  }
.Ltmp3:
0x7d: {  	s18 =	sadd.s32 $0x13900, s18;
	[sflag:s13] =	ssyncadd.s32 $0xFFFFC000;
	(pc) =	sbr.rel @p0 .LBB2_8-.Ltmp3, $3  }
0x7e: {  	[spmem:s2] =	stream.indirect.scatter.add.f32 [tilespmem:s16], [sflag:$0x1], $0x80, s18, s15, $0xb8;
	[tilespmem:$0x18D00] =	vst v63  }
0x7f: {  	s17 =	sadd.s32 $0x200, s17;
	_ =	sdelay $0x1  }
0x80: {  	_ =	swait.ge [sflag:s13], $0x4000  }
0x81: {  	[sflag:s13] =	ssyncset.done $0x0  }
0x82: {  	s17 =	simm.s32 $0x0;
	[sflag:s13] =	ssyncadd.s32 $0xFFFFC000  }
0x83: {  	[tilespmem:s14], [sflag:$0x1] =	stream.linear.gather [hbm4b:s9+s17], $0x1000, $0x38;
	[tilespmem:$0x18D00] =	vst v63  }
0x84: {  	_ =	swait.ge [sflag:s13], $0x1000  }
0x85: {  	[sflag:s13] =	ssyncset.done $0x0  }
0x86: {  	s31 =	simm.s32 $0x13900;
	[sflag:s13] =	ssyncadd.s32 $0xFFFFF000  }
0x87: {  	[spmem:s2] =	stream.indirect.scatter.add.f32 [tilespmem:s16], [sflag:$0x1], $0x80, s31, s15, $0xb8;
	[tilespmem:$0x18D00] =	vst v63  }
0x88: {  	s17 =	simm.s32 $0x200;
	_ =	swait.ge [sflag:s13], $0x4000  }
.LBB2_10:
0x89: {  	s18 =	sshra.s32 s17, $0x2;
	[sflag:s13] =	ssyncset.done $0x0;
	p0 =	sne.s32 s17, $0x3E00  }
.Ltmp4:
0x8a: {  	s18 =	sadd.s32 $0x13900, s18;
	[sflag:s13] =	ssyncadd.s32 $0xFFFFC000;
	(pc) =	sbr.rel @p0 .LBB2_10-.Ltmp4, $3  }
0x8b: {  	[spmem:s2] =	stream.indirect.scatter.add.f32 [tilespmem:s16], [sflag:$0x1], $0x80, s18, s15, $0xb8;
	[tilespmem:$0x18D00] =	vst v63  }
0x8c: {  	s17 =	sadd.s32 $0x200, s17;
	_ =	sdelay $0x1  }
0x8d: {  	_ =	swait.ge [sflag:s13], $0x4000  }
0x8e: {  	[sflag:s13] =	ssyncset.done $0x0  }
0x8f: {  	s17 =	simm.s32 $0x0;
	[sflag:s13] =	ssyncadd.s32 $0xFFFFC000  }
0x90: {  	[tilespmem:s14], [sflag:$0x1] =	stream.linear.gather [hbm4b:s10+s17], $0x1000, $0x38;
	[tilespmem:$0x18D00] =	vst v63  }
0x91: {  	_ =	swait.ge [sflag:s13], $0x1000  }
0x92: {  	[sflag:s13] =	ssyncset.done $0x0  }
0x93: {  	s31 =	simm.s32 $0x13900;
	[sflag:s13] =	ssyncadd.s32 $0xFFFFF000  }
0x94: {  	[spmem:s2] =	stream.indirect.scatter.add.f32 [tilespmem:s16], [sflag:$0x1], $0x80, s31, s15, $0xb8;
	[tilespmem:$0x18D00] =	vst v63  }
0x95: {  	s17 =	simm.s32 $0x200;
	_ =	swait.ge [sflag:s13], $0x4000  }
.LBB2_12:
0x96: {  	s18 =	sshra.s32 s17, $0x2;
	[sflag:s13] =	ssyncset.done $0x0;
	p0 =	sne.s32 s17, $0x3E00  }
.Ltmp5:
0x97: {  	s18 =	sadd.s32 $0x13900, s18;
	[sflag:s13] =	ssyncadd.s32 $0xFFFFC000;
	(pc) =	sbr.rel @p0 .LBB2_12-.Ltmp5, $3  }
0x98: {  	[spmem:s2] =	stream.indirect.scatter.add.f32 [tilespmem:s16], [sflag:$0x1], $0x80, s18, s15, $0xb8;
	[tilespmem:$0x18D00] =	vst v63  }
0x99: {  	s17 =	sadd.s32 $0x200, s17;
	_ =	sdelay $0x1  }
0x9a: {  	_ =	swait.ge [sflag:s13], $0x4000  }
0x9b: {  	[sflag:s13] =	ssyncset.done $0x0  }
0x9c: {  	s17 =	simm.s32 $0x0;
	[sflag:s13] =	ssyncadd.s32 $0xFFFFC000  }
0x9d: {  	[tilespmem:s14], [sflag:$0x1] =	stream.linear.gather [hbm4b:s11+s17], $0x1000, $0x38;
	[tilespmem:$0x18D00] =	vst v63  }
0x9e: {  	_ =	swait.ge [sflag:s13], $0x1000  }
0x9f: {  	[sflag:s13] =	ssyncset.done $0x0  }
0xa0: {  	s31 =	simm.s32 $0x13900;
	[sflag:s13] =	ssyncadd.s32 $0xFFFFF000  }
0xa1: {  	[spmem:s2] =	stream.indirect.scatter.add.f32 [tilespmem:s16], [sflag:$0x1], $0x80, s31, s15, $0xb8;
	[tilespmem:$0x18D00] =	vst v63  }
0xa2: {  	s17 =	simm.s32 $0x200;
	_ =	swait.ge [sflag:s13], $0x4000  }
.LBB2_14:
0xa3: {  	s18 =	sshra.s32 s17, $0x2;
	[sflag:s13] =	ssyncset.done $0x0;
	p0 =	sne.s32 s17, $0x3E00  }
.Ltmp6:
0xa4: {  	s18 =	sadd.s32 $0x13900, s18;
	[sflag:s13] =	ssyncadd.s32 $0xFFFFC000;
	(pc) =	sbr.rel @p0 .LBB2_14-.Ltmp6, $3  }
0xa5: {  	[spmem:s2] =	stream.indirect.scatter.add.f32 [tilespmem:s16], [sflag:$0x1], $0x80, s18, s15, $0xb8;
	[tilespmem:$0x18D00] =	vst v63  }
0xa6: {  	s17 =	sadd.s32 $0x200, s17;
	_ =	sdelay $0x1  }
0xa7: {  	_ =	swait.ge [sflag:s13], $0x4000  }
0xa8: {  	[sflag:s13] =	ssyncset.done $0x0;
	s17 =	sshll.u32 s0, $0x6;
	s3 =	sadd.s32 $0x1, s3  }
0xa9: {  	s18 =	sshrl.u32 s4, $0x3;
	[sflag:s13] =	ssyncadd.s32 $0xFFFFC000;
	p0 =	sne.s32 s3, s6  }
.Ltmp7:
0xaa: {  	s17 =	sor.u32 $0x1C01, s17;
	[bflag:$0x0] =	sbarrier.arrive $0xFFFF;
	(pc) =	sbr.rel @p0 .LBB2_1-.Ltmp7, $4  }
0xab: {  	[hbm:s5], [sflag:s17] =	dma.local [spmem:s18], $0x2780  }
0xac: {  	_ =	swait.ge [sflag:s13], $0x2780  }
0xad: {  	[sflag:s13] =	ssyncset.done $0x0  }
0xae: {  	[sflag:s13] =	ssyncadd.s32 $0xFFFFD880  }
0xaf: {  	_ =	sfence.sel $0x180000  }
0xb0: {  	[bflag:$0x0] =	sbarrier.arrive $0xFFFF  }
0xb1: {  	p0 =	sne.s32 s0, $0x0;
	_ =	strace $0x90000047  }
0xb2: {  	s0 =	sadd.s32 @!p0 $0x100000, s1;
	[bflag:$0x2] =	sbarrier.arrive $0xFFFF  }
0xb3: {  	[sflag:s0] =	ssyncadd.tile.s32 @!p0 $0x1;
	_ =	shalt  }
.Lfunc_end2:
_tile_overlayer_lowered:
.L_overlay_start_2:
0xb4: {  	(tag) =	ssettag $0x2  }
0xb5: {  	s0 =	rddreg [dreg:$0x0];
	s2 =	stileid.u32  }
0xb6: {  	s1 =	rddreg [dreg:$0x1];
	p0 =	sne.s32 s2, $0x0  }
0xb7: {  	s3 =	rddreg [dreg:$0x2];
	[bflag:$0x3] =	sbarrier.arrive $0xFFFF;
	s2 =	simm.s32 @!p0 $0x1C01  }
0xb8: {  	[timem:s3], [sflag:s2] =	dma.local @!p0 [hbm:s0], s1  }
0xb9: {  	s0 =	simm.s32 @!p0 $0x1  }
0xba: {  	_ =	swait.ge @!p0 [sflag:s0], s1  }
0xbb: {  	s1 =	ssub.s32 @!p0 $0x0, s1;
	[sflag:s0] =	ssyncset.done @!p0 $0x0  }
0xbc: {  	[sflag:s0] =	ssyncadd.s32 @!p0 s1  }
0xbd: {  	[bflag:$0x3] =	sbarrier.arrive $0xFFFF  }
0xbe: {  	_ =	shalt  }

</sc_bundles>
